<compile_context>
chip_gen: v7x
topology: tpu7x:2x2x1
jax: 0.10.2.dev20260603
libtpu: 0.0.44.dev20260713+nightly
codegen_flags: <defaults>
</compile_context>

<pallas_src>
import jax
import jax.numpy as jnp
from jax import lax
from jax.experimental import pallas as pl
from jax.experimental.pallas import tpu as pltpu
from jax.experimental.pallas import tpu_sc as plsc

HIDDEN = 1024
INTER = 768
N_EXP = 64
N_TOK = 32


def _router_body(x_ref, gk_ref, logits_ref, probs_ref, wt_ref, oh_ref):
    x = x_ref[...]
    gk = gk_ref[...]
    logits = jax.lax.dot_general(
        x, gk, (((1,), (0,)), ((), ())), preferred_element_type=jnp.float32)
    logits_ref[...] = logits
    m = jnp.max(logits, axis=-1, keepdims=True)
    e = jnp.exp(logits - m)
    probs = e / jnp.sum(e, axis=-1, keepdims=True)

    iota = jax.lax.broadcasted_iota(jnp.int32, (N_TOK, N_EXP), 1)
    p1 = jnp.max(probs, axis=-1, keepdims=True)
    idx1 = jnp.min(jnp.where(probs == p1, iota, N_EXP), axis=-1, keepdims=True)
    masked = jnp.where(iota == idx1, -1.0, probs)
    p2 = jnp.max(masked, axis=-1, keepdims=True)
    idx2 = jnp.min(jnp.where(masked == p2, iota, N_EXP), axis=-1, keepdims=True)
    s = p1 + p2
    w1 = p1 / s
    w2 = p2 / s

    probs_ref[...] = probs

    iota_e = jax.lax.broadcasted_iota(jnp.int32, (N_EXP, N_TOK), 0)
    sel1 = jnp.broadcast_to(idx1.reshape(1, N_TOK), (N_EXP, N_TOK))
    sel2 = jnp.broadcast_to(idx2.reshape(1, N_TOK), (N_EXP, N_TOK))
    w1b = jnp.broadcast_to(w1.reshape(1, N_TOK), (N_EXP, N_TOK))
    w2b = jnp.broadcast_to(w2.reshape(1, N_TOK), (N_EXP, N_TOK))
    wt_ref[...] = (jnp.where(iota_e == sel1, w1b, 0.0)
                   + jnp.where(iota_e == sel2, w2b, 0.0))

    oh_ref[...] = (jnp.where(iota == idx1, 1.0, 0.0)
                   + jnp.where(iota == idx2, 1.0, 0.0))


_LANES = 16


def _sc_route_body(probs_hbm, oh_hbm, active_hbm, count_hbm, aux_hbm,
                   p_v, oh_v, act_v, cnt_v, o_v):
    first = (lax.axis_index("c") == 0) & (lax.axis_index("s") == 0)

    @pl.when(first)
    def _():
        pltpu.sync_copy(probs_hbm, p_v)
        pltpu.sync_copy(oh_hbm, oh_v)

        pm = [jnp.zeros((_LANES,), jnp.float32) for _ in range(4)]
        fr = [jnp.zeros((_LANES,), jnp.float32) for _ in range(4)]
        for t in range(N_TOK):
            for c in range(4):
                pm[c] = pm[c] + p_v[t, pl.ds(c * _LANES, _LANES)]
                fr[c] = fr[c] + oh_v[t, pl.ds(c * _LANES, _LANES)]

        total = jnp.float32(0.0)
        for c in range(4):
            total = total + jnp.sum(pm[c] * fr[c])
        aux = total * jnp.float32(
            (1.0 / N_TOK) * (1.0 / N_TOK) * N_EXP * 0.001)
        o_v[...] = jnp.broadcast_to(aux, (_LANES,))

        for c in range(4):
            act_v[pl.ds(c * _LANES, _LANES)] = jnp.zeros((_LANES,), jnp.int32)
        zv = jnp.zeros((_LANES,), jnp.float32)
        ov = jnp.ones((_LANES,), jnp.int32)
        zi = jnp.zeros((_LANES,), jnp.int32)
        offset = jnp.int32(0)
        for c in range(4):
            pres = fr[c] > zv
            presi = jnp.where(pres, ov, zi)
            cs = plsc.cumsum(presi)
            pos = cs + offset - 1
            vals = lax.iota(jnp.int32, _LANES) + c * _LANES
            plsc.store_scatter(act_v, [pos], vals, mask=pres)
            offset = offset + jnp.sum(presi)
        cnt_v[...] = jnp.broadcast_to(offset, (_LANES,))

        pltpu.sync_copy(act_v, active_hbm)
        pltpu.sync_copy(cnt_v, count_hbm)
        pltpu.sync_copy(o_v, aux_hbm)


def _sc_route(probs, onehot):
    return pl.kernel(
        _sc_route_body,
        out_type=(
            jax.ShapeDtypeStruct((N_EXP,), jnp.int32),
            jax.ShapeDtypeStruct((_LANES,), jnp.int32),
            jax.ShapeDtypeStruct((_LANES,), jnp.float32),
        ),
        mesh=plsc.VectorSubcoreMesh(
            core_axis_name="c", subcore_axis_name="s",
            num_cores=2, num_subcores=16),
        scratch_types=[
            pltpu.VMEM((N_TOK, N_EXP), jnp.float32),
            pltpu.VMEM((N_TOK, N_EXP), jnp.float32),
            pltpu.VMEM((N_EXP,), jnp.int32),
            pltpu.VMEM((_LANES,), jnp.int32),
            pltpu.VMEM((_LANES,), jnp.float32),
        ],
        compiler_params=pltpu.CompilerParams(needs_layout_passes=False),
    )(probs, onehot)


def _expert_body(active_ref, count_ref, x_ref, gup_ref, dwn_ref, wt_ref,
                 out_ref):
    i = pl.program_id(0)

    @pl.when(i == 0)
    def _():
        out_ref[...] = jnp.zeros_like(out_ref)

    x = x_ref[...]
    gu = gup_ref[0]
    h = jax.lax.dot_general(
        x, gu, (((1,), (1,)), ((), ())),
        preferred_element_type=jnp.float32)
    g = h[:, :INTER]
    u = h[:, INTER:]
    inter = g * jax.nn.sigmoid(g) * u
    dw = dwn_ref[0]
    y = jax.lax.dot_general(
        inter, dw, (((1,), (1,)), ((), ())),
        preferred_element_type=jnp.float32)
    w = wt_ref[0]
    out_ref[...] += w * y


def kernel(hidden_states, gate_kernel, gate_up_proj, down_proj):
    batch, seq, hidden = hidden_states.shape
    x = hidden_states.reshape(N_TOK, HIDDEN)

    logits, probs, wt, onehot = pl.pallas_call(
        _router_body,
        out_shape=(
            jax.ShapeDtypeStruct((N_TOK, N_EXP), jnp.float32),
            jax.ShapeDtypeStruct((N_TOK, N_EXP), jnp.float32),
            jax.ShapeDtypeStruct((N_EXP, N_TOK), jnp.float32),
            jax.ShapeDtypeStruct((N_TOK, N_EXP), jnp.float32),
        ),
    )(x, gate_kernel)

    active, count, aux_arr = _sc_route(probs, onehot)

    wt3 = wt.reshape(N_EXP, N_TOK, 1)

    def _widx(i, a_ref, c_ref):
        return (a_ref[i], 0, 0)

    grid_spec = pltpu.PrefetchScalarGridSpec(
        num_scalar_prefetch=2,
        grid=(count[0],),
        in_specs=[
            pl.BlockSpec((N_TOK, HIDDEN), lambda i, a, c: (0, 0)),
            pl.BlockSpec((1, 2 * INTER, HIDDEN), _widx),
            pl.BlockSpec((1, HIDDEN, INTER), _widx),
            pl.BlockSpec((1, N_TOK, 1), _widx),
        ],
        out_specs=pl.BlockSpec((N_TOK, HIDDEN), lambda i, a, c: (0, 0)),
    )

    out = pl.pallas_call(
        _expert_body,
        grid_spec=grid_spec,
        out_shape=jax.ShapeDtypeStruct((N_TOK, HIDDEN), jnp.float32),
    )(active, count, x, gate_up_proj, down_proj, wt3)

    return (out.reshape(batch, seq, hidden), logits, aux_arr[0])

# --- scband reference (transcript-rebuilt; emitter-appended) ---
"""Pipeline reference for scband-qwen3-omni-moe-sparse-moe-block-26663156973648 (READ-ONLY COPY).

The authoritative reference and input builder live on the scoring server;
editing this copy changes nothing except your own understanding.
"""

import jax, jax.numpy as jnp
import numpy as np

HIDDEN_DIM = 1024
INTERMEDIATE_DIM = 768
NUM_EXPERTS = 64
TOP_K = 2
NORM_TOPK_PROB = True
AUX_COEF = 0.001


def setup_inputs(seed: int = 0) -> dict:
    key = jax.random.key(seed)
    k1, k2, k3, k4 = jax.random.split(key, 4)
    hidden_states = jax.random.normal(k1, (32, 1, HIDDEN_DIM), dtype=jnp.float32)
    gate_kernel = jax.random.normal(k2, (HIDDEN_DIM, NUM_EXPERTS), dtype=jnp.float32) * 0.02
    gate_up_proj = jax.random.normal(k3, (NUM_EXPERTS, 2 * INTERMEDIATE_DIM, HIDDEN_DIM), dtype=jnp.float32) * 0.02
    down_proj = jax.random.normal(k4, (NUM_EXPERTS, HIDDEN_DIM, INTERMEDIATE_DIM), dtype=jnp.float32) * 0.02
    return {
        "hidden_states": hidden_states,
        "gate_kernel": gate_kernel,
        "gate_up_proj": gate_up_proj,
        "down_proj": down_proj,
    }


def reference(hidden_states, gate_kernel, gate_up_proj, down_proj):
    batch_size, seq_len, hidden_dim = hidden_states.shape
    flat = hidden_states.reshape(-1, hidden_dim)
    # Router
    router_logits = flat @ gate_kernel  # (T, E)
    routing_weights = jax.nn.softmax(router_logits, axis=-1)
    topk_weights, selected_experts = jax.lax.top_k(routing_weights, TOP_K)
    if NORM_TOPK_PROB:
        topk_weights = topk_weights / jnp.sum(topk_weights, axis=-1, keepdims=True)
    # Experts: gather per-token expert weights
    selected_gate_up = jnp.take(gate_up_proj, selected_experts, axis=0)  # (T, k, 2I, H)
    selected_down = jnp.take(down_proj, selected_experts, axis=0)        # (T, k, H, I)
    gate_up_output = jnp.einsum('th,temh->tem', flat, selected_gate_up)  # (T, k, 2I)
    gate, up = jnp.split(gate_up_output, 2, axis=-1)
    intermediate = jax.nn.silu(gate) * up
    expert_outputs = jnp.einsum('tem,tehm->teh', intermediate, selected_down)  # (T, k, H)
    final_output = jnp.sum(expert_outputs * topk_weights[..., None], axis=1)
    final_output = final_output.reshape(batch_size, seq_len, hidden_dim)
    # Auxiliary load balancing loss
    routing_probs = jax.nn.softmax(router_logits, axis=-1)
    expert_probs = jnp.mean(routing_probs, axis=0)
    expert_mask = jax.nn.one_hot(selected_experts, NUM_EXPERTS, dtype=jnp.float32)  # (T, k, E)
    expert_freq = jnp.mean(jnp.sum(expert_mask, axis=1), axis=0)
    aux_loss = jnp.sum(expert_probs * expert_freq) * NUM_EXPERTS * AUX_COEF
    return (final_output, router_logits, aux_loss)

if __name__ == "__main__":
    import jax
    _d = setup_inputs()
    print(jax.jit(kernel)(*tuple(_d.values())))

</pallas_src>

<mosaic_0001>
#map = affine_map<(d0, d1) -> (0, 0)>
#map1 = affine_map<(d0, d1) -> (0)>
module attributes {stable_mosaic.version = 14 : i64} {
  func.func @_sc_route_body(%arg0: i32, %arg1: i32, %arg2: memref<32x64xf32, #tpu.memory_space<hbm>>, %arg3: memref<32x64xf32, #tpu.memory_space<hbm>>, %arg4: memref<64xi32, #tpu.memory_space<hbm>>, %arg5: memref<16xi32, #tpu.memory_space<hbm>>, %arg6: memref<16xf32, #tpu.memory_space<hbm>>, %arg7: memref<32x64xf32, #tpu.memory_space<vmem>>, %arg8: memref<32x64xf32, #tpu.memory_space<vmem>>, %arg9: memref<64xi32, #tpu.memory_space<vmem>>, %arg10: memref<16xi32, #tpu.memory_space<vmem>>, %arg11: memref<16xf32, #tpu.memory_space<vmem>>) attributes {dimension_semantics = [#tpu.dimension_semantics<core_parallel>, #tpu.dimension_semantics<subcore_parallel>], iteration_bounds = array<i64: 2, 16>, scalar_prefetch = 0 : i64, scratch_operands = 5 : i64, tpu.core_type = #tpu.core_type<sc_vector_subcore>, window_params = [{transform_indices = #map}, {transform_indices = #map}, {transform_indices = #map1}, {transform_indices = #map1}, {transform_indices = #map1}]} {
    %eq3A = arith.constant 0 : i32
    %eq3A_0 = arith.cmpi eq, %arg0, %eq3A : i32
    %eq3A_1 = arith.constant 0 : i32
    %eq3A_2 = arith.cmpi eq, %arg1, %eq3A_1 : i32
    %and3A = arith.andi %eq3A_0, %eq3A_2 : i1
    %convert_element_type3A = arith.extui %and3A : i1 to i32
    %cond3A = arith.constant 0 : i32
    %cond3A_3 = arith.cmpi ne, %convert_element_type3A, %cond3A : i32
    scf.if %cond3A_3 {
      "tpu.region"() ({
        %run_scoped3A = tpu.sem_alloc : memref<!tpu.dma_semaphore, #tpu.memory_space<semaphore_mem>>
        tpu.enqueue_dma source(%arg2 : memref<32x64xf32, #tpu.memory_space<hbm>>) target(%arg7 : memref<32x64xf32, #tpu.memory_space<vmem>>) target_semaphore(%run_scoped3A : memref<!tpu.dma_semaphore, #tpu.memory_space<semaphore_mem>>)
        tpu.wait_dma2 semaphore(%run_scoped3A : memref<!tpu.dma_semaphore, #tpu.memory_space<semaphore_mem>>) src(%arg2 : memref<32x64xf32, #tpu.memory_space<hbm>>) dst(%arg7 : memref<32x64xf32, #tpu.memory_space<vmem>>)
        tpu.yield
      }) : () -> ()
      "tpu.region"() ({
        %run_scoped3A = tpu.sem_alloc : memref<!tpu.dma_semaphore, #tpu.memory_space<semaphore_mem>>
        tpu.enqueue_dma source(%arg3 : memref<32x64xf32, #tpu.memory_space<hbm>>) target(%arg8 : memref<32x64xf32, #tpu.memory_space<vmem>>) target_semaphore(%run_scoped3A : memref<!tpu.dma_semaphore, #tpu.memory_space<semaphore_mem>>)
        tpu.wait_dma2 semaphore(%run_scoped3A : memref<!tpu.dma_semaphore, #tpu.memory_space<semaphore_mem>>) src(%arg3 : memref<32x64xf32, #tpu.memory_space<hbm>>) dst(%arg8 : memref<32x64xf32, #tpu.memory_space<vmem>>)
        tpu.yield
      }) : () -> ()
      %broadcast_in_dim3A = arith.constant 0.000000e+00 : f32
      %broadcast_in_dim3A_4 = vector.broadcast %broadcast_in_dim3A : f32 to vector<16xf32>
      %broadcast_in_dim3A_5 = arith.constant 0.000000e+00 : f32
      %broadcast_in_dim3A_6 = vector.broadcast %broadcast_in_dim3A_5 : f32 to vector<16xf32>
      %broadcast_in_dim3A_7 = arith.constant 0.000000e+00 : f32
      %broadcast_in_dim3A_8 = vector.broadcast %broadcast_in_dim3A_7 : f32 to vector<16xf32>
      %broadcast_in_dim3A_9 = arith.constant 0.000000e+00 : f32
      %broadcast_in_dim3A_10 = vector.broadcast %broadcast_in_dim3A_9 : f32 to vector<16xf32>
      %broadcast_in_dim3A_11 = arith.constant 0.000000e+00 : f32
      %broadcast_in_dim3A_12 = vector.broadcast %broadcast_in_dim3A_11 : f32 to vector<16xf32>
      %broadcast_in_dim3A_13 = arith.constant 0.000000e+00 : f32
      %broadcast_in_dim3A_14 = vector.broadcast %broadcast_in_dim3A_13 : f32 to vector<16xf32>
      %broadcast_in_dim3A_15 = arith.constant 0.000000e+00 : f32
      %broadcast_in_dim3A_16 = vector.broadcast %broadcast_in_dim3A_15 : f32 to vector<16xf32>
      %broadcast_in_dim3A_17 = arith.constant 0.000000e+00 : f32
      %broadcast_in_dim3A_18 = vector.broadcast %broadcast_in_dim3A_17 : f32 to vector<16xf32>
      %get3A = arith.constant 0 : i32
      %get3A_19 = arith.index_cast %get3A : i32 to index
      %get3A_20 = arith.constant 0 : index
      %get3A_21 = tpu.vector_load %arg7[%get3A_19, %get3A_20] {strides = array<i32>} : memref<32x64xf32, #tpu.memory_space<vmem>>, vector<16xf32>,
      %add3A = arith.addf %broadcast_in_dim3A_4, %get3A_21 : vector<16xf32>
      %get3A_22 = arith.constant 0 : i32
      %get3A_23 = arith.index_cast %get3A_22 : i32 to index
      %get3A_24 = arith.constant 0 : index
      %get3A_25 = tpu.vector_load %arg8[%get3A_23, %get3A_24] {strides = array<i32>} : memref<32x64xf32, #tpu.memory_space<vmem>>, vector<16xf32>,
      %add3A_26 = arith.addf %broadcast_in_dim3A_12, %get3A_25 : vector<16xf32>
      %get3A_27 = arith.constant 0 : i32
      %get3A_28 = arith.index_cast %get3A_27 : i32 to index
      %get3A_29 = arith.constant 16 : index
      %get3A_30 = tpu.vector_load %arg7[%get3A_28, %get3A_29] {strides = array<i32>} : memref<32x64xf32, #tpu.memory_space<vmem>>, vector<16xf32>,
      %add3A_31 = arith.addf %broadcast_in_dim3A_6, %get3A_30 : vector<16xf32>
      %get3A_32 = arith.constant 0 : i32
      %get3A_33 = arith.index_cast %get3A_32 : i32 to index
      %get3A_34 = arith.constant 16 : index
      %get3A_35 = tpu.vector_load %arg8[%get3A_33, %get3A_34] {strides = array<i32>} : memref<32x64xf32, #tpu.memory_space<vmem>>, vector<16xf32>,
      %add3A_36 = arith.addf %broadcast_in_dim3A_14, %get3A_35 : vector<16xf32>
      %get3A_37 = arith.constant 0 : i32
      %get3A_38 = arith.index_cast %get3A_37 : i32 to index
      %get3A_39 = arith.constant 32 : index
      %get3A_40 = tpu.vector_load %arg7[%get3A_38, %get3A_39] {strides = array<i32>} : memref<32x64xf32, #tpu.memory_space<vmem>>, vector<16xf32>,
      %add3A_41 = arith.addf %broadcast_in_dim3A_8, %get3A_40 : vector<16xf32>
      %get3A_42 = arith.constant 0 : i32
      %get3A_43 = arith.index_cast %get3A_42 : i32 to index
      %get3A_44 = arith.constant 32 : index
      %get3A_45 = tpu.vector_load %arg8[%get3A_43, %get3A_44] {strides = array<i32>} : memref<32x64xf32, #tpu.memory_space<vmem>>, vector<16xf32>,
      %add3A_46 = arith.addf %broadcast_in_dim3A_16, %get3A_45 : vector<16xf32>
      %get3A_47 = arith.constant 0 : i32
      %get3A_48 = arith.index_cast %get3A_47 : i32 to index
      %get3A_49 = arith.constant 48 : index
      %get3A_50 = tpu.vector_load %arg7[%get3A_48, %get3A_49] {strides = array<i32>} : memref<32x64xf32, #tpu.memory_space<vmem>>, vector<16xf32>,
      %add3A_51 = arith.addf %broadcast_in_dim3A_10, %get3A_50 : vector<16xf32>
      %get3A_52 = arith.constant 0 : i32
      %get3A_53 = arith.index_cast %get3A_52 : i32 to index
      %get3A_54 = arith.constant 48 : index
      %get3A_55 = tpu.vector_load %arg8[%get3A_53, %get3A_54] {strides = array<i32>} : memref<32x64xf32, #tpu.memory_space<vmem>>, vector<16xf32>,
      %add3A_56 = arith.addf %broadcast_in_dim3A_18, %get3A_55 : vector<16xf32>
      %get3A_57 = arith.constant 1 : i32
      %get3A_58 = arith.index_cast %get3A_57 : i32 to index
      %get3A_59 = arith.constant 0 : index
      %get3A_60 = tpu.vector_load %arg7[%get3A_58, %get3A_59] {strides = array<i32>} : memref<32x64xf32, #tpu.memory_space<vmem>>, vector<16xf32>,
      %add3A_61 = arith.addf %add3A, %get3A_60 : vector<16xf32>
      %get3A_62 = arith.constant 1 : i32
      %get3A_63 = arith.index_cast %get3A_62 : i32 to index
      %get3A_64 = arith.constant 0 : index
      %get3A_65 = tpu.vector_load %arg8[%get3A_63, %get3A_64] {strides = array<i32>} : memref<32x64xf32, #tpu.memory_space<vmem>>, vector<16xf32>,
      %add3A_66 = arith.addf %add3A_26, %get3A_65 : vector<16xf32>
      %get3A_67 = arith.constant 1 : i32
      %get3A_68 = arith.index_cast %get3A_67 : i32 to index
      %get3A_69 = arith.constant 16 : index
      %get3A_70 = tpu.vector_load %arg7[%get3A_68, %get3A_69] {strides = array<i32>} : memref<32x64xf32, #tpu.memory_space<vmem>>, vector<16xf32>,
      %add3A_71 = arith.addf %add3A_31, %get3A_70 : vector<16xf32>
      %get3A_72 = arith.constant 1 : i32
      %get3A_73 = arith.index_cast %get3A_72 : i32 to index
      %get3A_74 = arith.constant 16 : index
      %get3A_75 = tpu.vector_load %arg8[%get3A_73, %get3A_74] {strides = array<i32>} : memref<32x64xf32, #tpu.memory_space<vmem>>, vector<16xf32>,
      %add3A_76 = arith.addf %add3A_36, %get3A_75 : vector<16xf32>
      %get3A_77 = arith.constant 1 : i32
      %get3A_78 = arith.index_cast %get3A_77 : i32 to index
      %get3A_79 = arith.constant 32 : index
      %get3A_80 = tpu.vector_load %arg7[%get3A_78, %get3A_79] {strides = array<i32>} : memref<32x64xf32, #tpu.memory_space<vmem>>, vector<16xf32>,
      %add3A_81 = arith.addf %add3A_41, %get3A_80 : vector<16xf32>
      %get3A_82 = arith.constant 1 : i32
      %get3A_83 = arith.index_cast %get3A_82 : i32 to index
      %get3A_84 = arith.constant 32 : index
      %get3A_85 = tpu.vector_load %arg8[%get3A_83, %get3A_84] {strides = array<i32>} : memref<32x64xf32, #tpu.memory_space<vmem>>, vector<16xf32>,
      %add3A_86 = arith.addf %add3A_46, %get3A_85 : vector<16xf32>
      %get3A_87 = arith.constant 1 : i32
      %get3A_88 = arith.index_cast %get3A_87 : i32 to index
      %get3A_89 = arith.constant 48 : index
      %get3A_90 = tpu.vector_load %arg7[%get3A_88, %get3A_89] {strides = array<i32>} : memref<32x64xf32, #tpu.memory_space<vmem>>, vector<16xf32>,
      %add3A_91 = arith.addf %add3A_51, %get3A_90 : vector<16xf32>
      %get3A_92 = arith.constant 1 : i32
      %get3A_93 = arith.index_cast %get3A_92 : i32 to index
      %get3A_94 = arith.constant 48 : index
      %get3A_95 = tpu.vector_load %arg8[%get3A_93, %get3A_94] {strides = array<i32>} : memref<32x64xf32, #tpu.memory_space<vmem>>, vector<16xf32>,
      %add3A_96 = arith.addf %add3A_56, %get3A_95 : vector<16xf32>
      %get3A_97 = arith.constant 2 : i32
      %get3A_98 = arith.index_cast %get3A_97 : i32 to index
      %get3A_99 = arith.constant 0 : index
      %get3A_100 = tpu.vector_load %arg7[%get3A_98, %get3A_99] {strides = array<i32>} : memref<32x64xf32, #tpu.memory_space<vmem>>, vector<16xf32>,
      %add3A_101 = arith.addf %add3A_61, %get3A_100 : vector<16xf32>
      %get3A_102 = arith.constant 2 : i32
      %get3A_103 = arith.index_cast %get3A_102 : i32 to index
      %get3A_104 = arith.constant 0 : index
      %get3A_105 = tpu.vector_load %arg8[%get3A_103, %get3A_104] {strides = array<i32>} : memref<32x64xf32, #tpu.memory_space<vmem>>, vector<16xf32>,
      %add3A_106 = arith.addf %add3A_66, %get3A_105 : vector<16xf32>
      %get3A_107 = arith.constant 2 : i32
      %get3A_108 = arith.index_cast %get3A_107 : i32 to index
      %get3A_109 = arith.constant 16 : index
      %get3A_110 = tpu.vector_load %arg7[%get3A_108, %get3A_109] {strides = array<i32>} : memref<32x64xf32, #tpu.memory_space<vmem>>, vector<16xf32>,
      %add3A_111 = arith.addf %add3A_71, %get3A_110 : vector<16xf32>
      %get3A_112 = arith.constant 2 : i32
      %get3A_113 = arith.index_cast %get3A_112 : i32 to index
      %get3A_114 = arith.constant 16 : index
      %get3A_115 = tpu.vector_load %arg8[%get3A_113, %get3A_114] {strides = array<i32>} : memref<32x64xf32, #tpu.memory_space<vmem>>, vector<16xf32>,
      %add3A_116 = arith.addf %add3A_76, %get3A_115 : vector<16xf32>
      %get3A_117 = arith.constant 2 : i32
      %get3A_118 = arith.index_cast %get3A_117 : i32 to index
      %get3A_119 = arith.constant 32 : index
      %get3A_120 = tpu.vector_load %arg7[%get3A_118, %get3A_119] {strides = array<i32>} : memref<32x64xf32, #tpu.memory_space<vmem>>, vector<16xf32>,
      %add3A_121 = arith.addf %add3A_81, %get3A_120 : vector<16xf32>
      %get3A_122 = arith.constant 2 : i32
      %get3A_123 = arith.index_cast %get3A_122 : i32 to index
      %get3A_124 = arith.constant 32 : index
      %get3A_125 = tpu.vector_load %arg8[%get3A_123, %get3A_124] {strides = array<i32>} : memref<32x64xf32, #tpu.memory_space<vmem>>, vector<16xf32>,
      %add3A_126 = arith.addf %add3A_86, %get3A_125 : vector<16xf32>
      %get3A_127 = arith.constant 2 : i32
      %get3A_128 = arith.index_cast %get3A_127 : i32 to index
      %get3A_129 = arith.constant 48 : index
      %get3A_130 = tpu.vector_load %arg7[%get3A_128, %get3A_129] {strides = array<i32>} : memref<32x64xf32, #tpu.memory_space<vmem>>, vector<16xf32>,
      %add3A_131 = arith.addf %add3A_91, %get3A_130 : vector<16xf32>
      %get3A_132 = arith.constant 2 : i32
      %get3A_133 = arith.index_cast %get3A_132 : i32 to index
      %get3A_134 = arith.constant 48 : index
      %get3A_135 = tpu.vector_load %arg8[%get3A_133, %get3A_134] {strides = array<i32>} : memref<32x64xf32, #tpu.memory_space<vmem>>, vector<16xf32>,
      %add3A_136 = arith.addf %add3A_96, %get3A_135 : vector<16xf32>
      %get3A_137 = arith.constant 3 : i32
      %get3A_138 = arith.index_cast %get3A_137 : i32 to index
      %get3A_139 = arith.constant 0 : index
      %get3A_140 = tpu.vector_load %arg7[%get3A_138, %get3A_139] {strides = array<i32>} : memref<32x64xf32, #tpu.memory_space<vmem>>, vector<16xf32>,
      %add3A_141 = arith.addf %add3A_101, %get3A_140 : vector<16xf32>
      %get3A_142 = arith.constant 3 : i32
      %get3A_143 = arith.index_cast %get3A_142 : i32 to index
      %get3A_144 = arith.constant 0 : index
      %get3A_145 = tpu.vector_load %arg8[%get3A_143, %get3A_144] {strides = array<i32>} : memref<32x64xf32, #tpu.memory_space<vmem>>, vector<16xf32>,
      %add3A_146 = arith.addf %add3A_106, %get3A_145 : vector<16xf32>
      %get3A_147 = arith.constant 3 : i32
      %get3A_148 = arith.index_cast %get3A_147 : i32 to index
      %get3A_149 = arith.constant 16 : index
      %get3A_150 = tpu.vector_load %arg7[%get3A_148, %get3A_149] {strides = array<i32>} : memref<32x64xf32, #tpu.memory_space<vmem>>, vector<16xf32>,
      %add3A_151 = arith.addf %add3A_111, %get3A_150 : vector<16xf32>
      %get3A_152 = arith.constant 3 : i32
      %get3A_153 = arith.index_cast %get3A_152 : i32 to index
      %get3A_154 = arith.constant 16 : index
      %get3A_155 = tpu.vector_load %arg8[%get3A_153, %get3A_154] {strides = array<i32>} : memref<32x64xf32, #tpu.memory_space<vmem>>, vector<16xf32>,
      %add3A_156 = arith.addf %add3A_116, %get3A_155 : vector<16xf32>
      %get3A_157 = arith.constant 3 : i32
      %get3A_158 = arith.index_cast %get3A_157 : i32 to index
      %get3A_159 = arith.constant 32 : index
      %get3A_160 = tpu.vector_load %arg7[%get3A_158, %get3A_159] {strides = array<i32>} : memref<32x64xf32, #tpu.memory_space<vmem>>, vector<16xf32>,
      %add3A_161 = arith.addf %add3A_121, %get3A_160 : vector<16xf32>
      %get3A_162 = arith.constant 3 : i32
      %get3A_163 = arith.index_cast %get3A_162 : i32 to index
      %get3A_164 = arith.constant 32 : index
      %get3A_165 = tpu.vector_load %arg8[%get3A_163, %get3A_164] {strides = array<i32>} : memref<32x64xf32, #tpu.memory_space<vmem>>, vector<16xf32>,
      %add3A_166 = arith.addf %add3A_126, %get3A_165 : vector<16xf32>
      %get3A_167 = arith.constant 3 : i32
      %get3A_168 = arith.index_cast %get3A_167 : i32 to index
      %get3A_169 = arith.constant 48 : index
      %get3A_170 = tpu.vector_load %arg7[%get3A_168, %get3A_169] {strides = array<i32>} : memref<32x64xf32, #tpu.memory_space<vmem>>, vector<16xf32>,
      %add3A_171 = arith.addf %add3A_131, %get3A_170 : vector<16xf32>
      %get3A_172 = arith.constant 3 : i32
      %get3A_173 = arith.index_cast %get3A_172 : i32 to index
      %get3A_174 = arith.constant 48 : index
      %get3A_175 = tpu.vector_load %arg8[%get3A_173, %get3A_174] {strides = array<i32>} : memref<32x64xf32, #tpu.memory_space<vmem>>, vector<16xf32>,
      %add3A_176 = arith.addf %add3A_136, %get3A_175 : vector<16xf32>
      %get3A_177 = arith.constant 4 : i32
      %get3A_178 = arith.index_cast %get3A_177 : i32 to index
      %get3A_179 = arith.constant 0 : index
      %get3A_180 = tpu.vector_load %arg7[%get3A_178, %get3A_179] {strides = array<i32>} : memref<32x64xf32, #tpu.memory_space<vmem>>, vector<16xf32>,
      %add3A_181 = arith.addf %add3A_141, %get3A_180 : vector<16xf32>
      %get3A_182 = arith.constant 4 : i32
      %get3A_183 = arith.index_cast %get3A_182 : i32 to index
      %get3A_184 = arith.constant 0 : index
      %get3A_185 = tpu.vector_load %arg8[%get3A_183, %get3A_184] {strides = array<i32>} : memref<32x64xf32, #tpu.memory_space<vmem>>, vector<16xf32>,
      %add3A_186 = arith.addf %add3A_146, %get3A_185 : vector<16xf32>
      %get3A_187 = arith.constant 4 : i32
      %get3A_188 = arith.index_cast %get3A_187 : i32 to index
      %get3A_189 = arith.constant 16 : index
      %get3A_190 = tpu.vector_load %arg7[%get3A_188, %get3A_189] {strides = array<i32>} : memref<32x64xf32, #tpu.memory_space<vmem>>, vector<16xf32>,
      %add3A_191 = arith.addf %add3A_151, %get3A_190 : vector<16xf32>
      %get3A_192 = arith.constant 4 : i32
      %get3A_193 = arith.index_cast %get3A_192 : i32 to index
      %get3A_194 = arith.constant 16 : index
      %get3A_195 = tpu.vector_load %arg8[%get3A_193, %get3A_194] {strides = array<i32>} : memref<32x64xf32, #tpu.memory_space<vmem>>, vector<16xf32>,
      %add3A_196 = arith.addf %add3A_156, %get3A_195 : vector<16xf32>
      %get3A_197 = arith.constant 4 : i32
      %get3A_198 = arith.index_cast %get3A_197 : i32 to index
      %get3A_199 = arith.constant 32 : index
      %get3A_200 = tpu.vector_load %arg7[%get3A_198, %get3A_199] {strides = array<i32>} : memref<32x64xf32, #tpu.memory_space<vmem>>, vector<16xf32>,
      %add3A_201 = arith.addf %add3A_161, %get3A_200 : vector<16xf32>
      %get3A_202 = arith.constant 4 : i32
      %get3A_203 = arith.index_cast %get3A_202 : i32 to index
      %get3A_204 = arith.constant 32 : index
      %get3A_205 = tpu.vector_load %arg8[%get3A_203, %get3A_204] {strides = array<i32>} : memref<32x64xf32, #tpu.memory_space<vmem>>, vector<16xf32>,
      %add3A_206 = arith.addf %add3A_166, %get3A_205 : vector<16xf32>
      %get3A_207 = arith.constant 4 : i32
      %get3A_208 = arith.index_cast %get3A_207 : i32 to index
      %get3A_209 = arith.constant 48 : index
      %get3A_210 = tpu.vector_load %arg7[%get3A_208, %get3A_209] {strides = array<i32>} : memref<32x64xf32, #tpu.memory_space<vmem>>, vector<16xf32>,
      %add3A_211 = arith.addf %add3A_171, %get3A_210 : vector<16xf32>
      %get3A_212 = arith.constant 4 : i32
      %get3A_213 = arith.index_cast %get3A_212 : i32 to index
      %get3A_214 = arith.constant 48 : index
      %get3A_215 = tpu.vector_load %arg8[%get3A_213, %get3A_214] {strides = array<i32>} : memref<32x64xf32, #tpu.memory_space<vmem>>, vector<16xf32>,
      %add3A_216 = arith.addf %add3A_176, %get3A_215 : vector<16xf32>
      %get3A_217 = arith.constant 5 : i32
      %get3A_218 = arith.index_cast %get3A_217 : i32 to index
      %get3A_219 = arith.constant 0 : index
      %get3A_220 = tpu.vector_load %arg7[%get3A_218, %get3A_219] {strides = array<i32>} : memref<32x64xf32, #tpu.memory_space<vmem>>, vector<16xf32>,
      %add3A_221 = arith.addf %add3A_181, %get3A_220 : vector<16xf32>
      %get3A_222 = arith.constant 5 : i32
      %get3A_223 = arith.index_cast %get3A_222 : i32 to index
      %get3A_224 = arith.constant 0 : index
      %get3A_225 = tpu.vector_load %arg8[%get3A_223, %get3A_224] {strides = array<i32>} : memref<32x64xf32, #tpu.memory_space<vmem>>, vector<16xf32>,
      %add3A_226 = arith.addf %add3A_186, %get3A_225 : vector<16xf32>
      %get3A_227 = arith.constant 5 : i32
      %get3A_228 = arith.index_cast %get3A_227 : i32 to index
      %get3A_229 = arith.constant 16 : index
      %get3A_230 = tpu.vector_load %arg7[%get3A_228, %get3A_229] {strides = array<i32>} : memref<32x64xf32, #tpu.memory_space<vmem>>, vector<16xf32>,
      %add3A_231 = arith.addf %add3A_191, %get3A_230 : vector<16xf32>
      %get3A_232 = arith.constant 5 : i32
      %get3A_233 = arith.index_cast %get3A_232 : i32 to index
      %get3A_234 = arith.constant 16 : index
      %get3A_235 = tpu.vector_load %arg8[%get3A_233, %get3A_234] {strides = array<i32>} : memref<32x64xf32, #tpu.memory_space<vmem>>, vector<16xf32>,
      %add3A_236 = arith.addf %add3A_196, %get3A_235 : vector<16xf32>
      %get3A_237 = arith.constant 5 : i32
      %get3A_238 = arith.index_cast %get3A_237 : i32 to index
      %get3A_239 = arith.constant 32 : index
      %get3A_240 = tpu.vector_load %arg7[%get3A_238, %get3A_239] {strides = array<i32>} : memref<32x64xf32, #tpu.memory_space<vmem>>, vector<16xf32>,
      %add3A_241 = arith.addf %add3A_201, %get3A_240 : vector<16xf32>
      %get3A_242 = arith.constant 5 : i32
      %get3A_243 = arith.index_cast %get3A_242 : i32 to index
      %get3A_244 = arith.constant 32 : index
      %get3A_245 = tpu.vector_load %arg8[%get3A_243, %get3A_244] {strides = array<i32>} : memref<32x64xf32, #tpu.memory_space<vmem>>, vector<16xf32>,
      %add3A_246 = arith.addf %add3A_206, %get3A_245 : vector<16xf32>
      %get3A_247 = arith.constant 5 : i32
      %get3A_248 = arith.index_cast %get3A_247 : i32 to index
      %get3A_249 = arith.constant 48 : index
      %get3A_250 = tpu.vector_load %arg7[%get3A_248, %get3A_249] {strides = array<i32>} : memref<32x64xf32, #tpu.memory_space<vmem>>, vector<16xf32>,
      %add3A_251 = arith.addf %add3A_211, %get3A_250 : vector<16xf32>
      %get3A_252 = arith.constant 5 : i32
      %get3A_253 = arith.index_cast %get3A_252 : i32 to index
      %get3A_254 = arith.constant 48 : index
      %get3A_255 = tpu.vector_load %arg8[%get3A_253, %get3A_254] {strides = array<i32>} : memref<32x64xf32, #tpu.memory_space<vmem>>, vector<16xf32>,
      %add3A_256 = arith.addf %add3A_216, %get3A_255 : vector<16xf32>
      %get3A_257 = arith.constant 6 : i32
      %get3A_258 = arith.index_cast %get3A_257 : i32 to index
      %get3A_259 = arith.constant 0 : index
      %get3A_260 = tpu.vector_load %arg7[%get3A_258, %get3A_259] {strides = array<i32>} : memref<32x64xf32, #tpu.memory_space<vmem>>, vector<16xf32>,
      %add3A_261 = arith.addf %add3A_221, %get3A_260 : vector<16xf32>
      %get3A_262 = arith.constant 6 : i32
      %get3A_263 = arith.index_cast %get3A_262 : i32 to index
      %get3A_264 = arith.constant 0 : index
      %get3A_265 = tpu.vector_load %arg8[%get3A_263, %get3A_264] {strides = array<i32>} : memref<32x64xf32, #tpu.memory_space<vmem>>, vector<16xf32>,
      %add3A_266 = arith.addf %add3A_226, %get3A_265 : vector<16xf32>
      %get3A_267 = arith.constant 6 : i32
      %get3A_268 = arith.index_cast %get3A_267 : i32 to index
      %get3A_269 = arith.constant 16 : index
      %get3A_270 = tpu.vector_load %arg7[%get3A_268, %get3A_269] {strides = array<i32>} : memref<32x64xf32, #tpu.memory_space<vmem>>, vector<16xf32>,
      %add3A_271 = arith.addf %add3A_231, %get3A_270 : vector<16xf32>
      %get3A_272 = arith.constant 6 : i32
      %get3A_273 = arith.index_cast %get3A_272 : i32 to index
      %get3A_274 = arith.constant 16 : index
      %get3A_275 = tpu.vector_load %arg8[%get3A_273, %get3A_274] {strides = array<i32>} : memref<32x64xf32, #tpu.memory_space<vmem>>, vector<16xf32>,
      %add3A_276 = arith.addf %add3A_236, %get3A_275 : vector<16xf32>
      %get3A_277 = arith.constant 6 : i32
      %get3A_278 = arith.index_cast %get3A_277 : i32 to index
      %get3A_279 = arith.constant 32 : index
      %get3A_280 = tpu.vector_load %arg7[%get3A_278, %get3A_279] {strides = array<i32>} : memref<32x64xf32, #tpu.memory_space<vmem>>, vector<16xf32>,
      %add3A_281 = arith.addf %add3A_241, %get3A_280 : vector<16xf32>
      %get3A_282 = arith.constant 6 : i32
      %get3A_283 = arith.index_cast %get3A_282 : i32 to index
      %get3A_284 = arith.constant 32 : index
      %get3A_285 = tpu.vector_load %arg8[%get3A_283, %get3A_284] {strides = array<i32>} : memref<32x64xf32, #tpu.memory_space<vmem>>, vector<16xf32>,
      %add3A_286 = arith.addf %add3A_246, %get3A_285 : vector<16xf32>
      %get3A_287 = arith.constant 6 : i32
      %get3A_288 = arith.index_cast %get3A_287 : i32 to index
      %get3A_289 = arith.constant 48 : index
      %get3A_290 = tpu.vector_load %arg7[%get3A_288, %get3A_289] {strides = array<i32>} : memref<32x64xf32, #tpu.memory_space<vmem>>, vector<16xf32>,
      %add3A_291 = arith.addf %add3A_251, %get3A_290 : vector<16xf32>
      %get3A_292 = arith.constant 6 : i32
      %get3A_293 = arith.index_cast %get3A_292 : i32 to index
      %get3A_294 = arith.constant 48 : index
      %get3A_295 = tpu.vector_load %arg8[%get3A_293, %get3A_294] {strides = array<i32>} : memref<32x64xf32, #tpu.memory_space<vmem>>, vector<16xf32>,
      %add3A_296 = arith.addf %add3A_256, %get3A_295 : vector<16xf32>
      %get3A_297 = arith.constant 7 : i32
      %get3A_298 = arith.index_cast %get3A_297 : i32 to index
      %get3A_299 = arith.constant 0 : index
      %get3A_300 = tpu.vector_load %arg7[%get3A_298, %get3A_299] {strides = array<i32>} : memref<32x64xf32, #tpu.memory_space<vmem>>, vector<16xf32>,
      %add3A_301 = arith.addf %add3A_261, %get3A_300 : vector<16xf32>
      %get3A_302 = arith.constant 7 : i32
      %get3A_303 = arith.index_cast %get3A_302 : i32 to index
      %get3A_304 = arith.constant 0 : index
      %get3A_305 = tpu.vector_load %arg8[%get3A_303, %get3A_304] {strides = array<i32>} : memref<32x64xf32, #tpu.memory_space<vmem>>, vector<16xf32>,
      %add3A_306 = arith.addf %add3A_266, %get3A_305 : vector<16xf32>
      %get3A_307 = arith.constant 7 : i32
      %get3A_308 = arith.index_cast %get3A_307 : i32 to index
      %get3A_309 = arith.constant 16 : index
      %get3A_310 = tpu.vector_load %arg7[%get3A_308, %get3A_309] {strides = array<i32>} : memref<32x64xf32, #tpu.memory_space<vmem>>, vector<16xf32>,
      %add3A_311 = arith.addf %add3A_271, %get3A_310 : vector<16xf32>
      %get3A_312 = arith.constant 7 : i32
      %get3A_313 = arith.index_cast %get3A_312 : i32 to index
      %get3A_314 = arith.constant 16 : index
      %get3A_315 = tpu.vector_load %arg8[%get3A_313, %get3A_314] {strides = array<i32>} : memref<32x64xf32, #tpu.memory_space<vmem>>, vector<16xf32>,
      %add3A_316 = arith.addf %add3A_276, %get3A_315 : vector<16xf32>
      %get3A_317 = arith.constant 7 : i32
      %get3A_318 = arith.index_cast %get3A_317 : i32 to index
      %get3A_319 = arith.constant 32 : index
      %get3A_320 = tpu.vector_load %arg7[%get3A_318, %get3A_319] {strides = array<i32>} : memref<32x64xf32, #tpu.memory_space<vmem>>, vector<16xf32>,
      %add3A_321 = arith.addf %add3A_281, %get3A_320 : vector<16xf32>
      %get3A_322 = arith.constant 7 : i32
      %get3A_323 = arith.index_cast %get3A_322 : i32 to index
      %get3A_324 = arith.constant 32 : index
      %get3A_325 = tpu.vector_load %arg8[%get3A_323, %get3A_324] {strides = array<i32>} : memref<32x64xf32, #tpu.memory_space<vmem>>, vector<16xf32>,
      %add3A_326 = arith.addf %add3A_286, %get3A_325 : vector<16xf32>
      %get3A_327 = arith.constant 7 : i32
      %get3A_328 = arith.index_cast %get3A_327 : i32 to index
      %get3A_329 = arith.constant 48 : index
      %get3A_330 = tpu.vector_load %arg7[%get3A_328, %get3A_329] {strides = array<i32>} : memref<32x64xf32, #tpu.memory_space<vmem>>, vector<16xf32>,
      %add3A_331 = arith.addf %add3A_291, %get3A_330 : vector<16xf32>
      %get3A_332 = arith.constant 7 : i32
      %get3A_333 = arith.index_cast %get3A_332 : i32 to index
      %get3A_334 = arith.constant 48 : index
      %get3A_335 = tpu.vector_load %arg8[%get3A_333, %get3A_334] {strides = array<i32>} : memref<32x64xf32, #tpu.memory_space<vmem>>, vector<16xf32>,
      %add3A_336 = arith.addf %add3A_296, %get3A_335 : vector<16xf32>
      %get3A_337 = arith.constant 8 : i32
      %get3A_338 = arith.index_cast %get3A_337 : i32 to index
      %get3A_339 = arith.constant 0 : index
      %get3A_340 = tpu.vector_load %arg7[%get3A_338, %get3A_339] {strides = array<i32>} : memref<32x64xf32, #tpu.memory_space<vmem>>, vector<16xf32>,
      %add3A_341 = arith.addf %add3A_301, %get3A_340 : vector<16xf32>
      %get3A_342 = arith.constant 8 : i32
      %get3A_343 = arith.index_cast %get3A_342 : i32 to index
      %get3A_344 = arith.constant 0 : index
      %get3A_345 = tpu.vector_load %arg8[%get3A_343, %get3A_344] {strides = array<i32>} : memref<32x64xf32, #tpu.memory_space<vmem>>, vector<16xf32>,
      %add3A_346 = arith.addf %add3A_306, %get3A_345 : vector<16xf32>
      %get3A_347 = arith.constant 8 : i32
      %get3A_348 = arith.index_cast %get3A_347 : i32 to index
      %get3A_349 = arith.constant 16 : index
      %get3A_350 = tpu.vector_load %arg7[%get3A_348, %get3A_349] {strides = array<i32>} : memref<32x64xf32, #tpu.memory_space<vmem>>, vector<16xf32>,
      %add3A_351 = arith.addf %add3A_311, %get3A_350 : vector<16xf32>
      %get3A_352 = arith.constant 8 : i32
      %get3A_353 = arith.index_cast %get3A_352 : i32 to index
      %get3A_354 = arith.constant 16 : index
      %get3A_355 = tpu.vector_load %arg8[%get3A_353, %get3A_354] {strides = array<i32>} : memref<32x64xf32, #tpu.memory_space<vmem>>, vector<16xf32>,
      %add3A_356 = arith.addf %add3A_316, %get3A_355 : vector<16xf32>
      %get3A_357 = arith.constant 8 : i32
      %get3A_358 = arith.index_cast %get3A_357 : i32 to index
      %get3A_359 = arith.constant 32 : index
      %get3A_360 = tpu.vector_load %arg7[%get3A_358, %get3A_359] {strides = array<i32>} : memref<32x64xf32, #tpu.memory_space<vmem>>, vector<16xf32>,
      %add3A_361 = arith.addf %add3A_321, %get3A_360 : vector<16xf32>
      %get3A_362 = arith.constant 8 : i32
      %get3A_363 = arith.index_cast %get3A_362 : i32 to index
      %get3A_364 = arith.constant 32 : index
      %get3A_365 = tpu.vector_load %arg8[%get3A_363, %get3A_364] {strides = array<i32>} : memref<32x64xf32, #tpu.memory_space<vmem>>, vector<16xf32>,
      %add3A_366 = arith.addf %add3A_326, %get3A_365 : vector<16xf32>
      %get3A_367 = arith.constant 8 : i32
      %get3A_368 = arith.index_cast %get3A_367 : i32 to index
      %get3A_369 = arith.constant 48 : index
      %get3A_370 = tpu.vector_load %arg7[%get3A_368, %get3A_369] {strides = array<i32>} : memref<32x64xf32, #tpu.memory_space<vmem>>, vector<16xf32>,
      %add3A_371 = arith.addf %add3A_331, %get3A_370 : vector<16xf32>
      %get3A_372 = arith.constant 8 : i32
      %get3A_373 = arith.index_cast %get3A_372 : i32 to index
      %get3A_374 = arith.constant 48 : index
      %get3A_375 = tpu.vector_load %arg8[%get3A_373, %get3A_374] {strides = array<i32>} : memref<32x64xf32, #tpu.memory_space<vmem>>, vector<16xf32>,
      %add3A_376 = arith.addf %add3A_336, %get3A_375 : vector<16xf32>
      %get3A_377 = arith.constant 9 : i32
      %get3A_378 = arith.index_cast %get3A_377 : i32 to index
      %get3A_379 = arith.constant 0 : index
      %get3A_380 = tpu.vector_load %arg7[%get3A_378, %get3A_379] {strides = array<i32>} : memref<32x64xf32, #tpu.memory_space<vmem>>, vector<16xf32>,
      %add3A_381 = arith.addf %add3A_341, %get3A_380 : vector<16xf32>
      %get3A_382 = arith.constant 9 : i32
      %get3A_383 = arith.index_cast %get3A_382 : i32 to index
      %get3A_384 = arith.constant 0 : index
      %get3A_385 = tpu.vector_load %arg8[%get3A_383, %get3A_384] {strides = array<i32>} : memref<32x64xf32, #tpu.memory_space<vmem>>, vector<16xf32>,
      %add3A_386 = arith.addf %add3A_346, %get3A_385 : vector<16xf32>
      %get3A_387 = arith.constant 9 : i32
      %get3A_388 = arith.index_cast %get3A_387 : i32 to index
      %get3A_389 = arith.constant 16 : index
      %get3A_390 = tpu.vector_load %arg7[%get3A_388, %get3A_389] {strides = array<i32>} : memref<32x64xf32, #tpu.memory_space<vmem>>, vector<16xf32>,
      %add3A_391 = arith.addf %add3A_351, %get3A_390 : vector<16xf32>
      %get3A_392 = arith.constant 9 : i32
      %get3A_393 = arith.index_cast %get3A_392 : i32 to index
      %get3A_394 = arith.constant 16 : index
      %get3A_395 = tpu.vector_load %arg8[%get3A_393, %get3A_394] {strides = array<i32>} : memref<32x64xf32, #tpu.memory_space<vmem>>, vector<16xf32>,
      %add3A_396 = arith.addf %add3A_356, %get3A_395 : vector<16xf32>
      %get3A_397 = arith.constant 9 : i32
      %get3A_398 = arith.index_cast %get3A_397 : i32 to index
      %get3A_399 = arith.constant 32 : index
      %get3A_400 = tpu.vector_load %arg7[%get3A_398, %get3A_399] {strides = array<i32>} : memref<32x64xf32, #tpu.memory_space<vmem>>, vector<16xf32>,
      %add3A_401 = arith.addf %add3A_361, %get3A_400 : vector<16xf32>
      %get3A_402 = arith.constant 9 : i32
      %get3A_403 = arith.index_cast %get3A_402 : i32 to index
      %get3A_404 = arith.constant 32 : index
      %get3A_405 = tpu.vector_load %arg8[%get3A_403, %get3A_404] {strides = array<i32>} : memref<32x64xf32, #tpu.memory_space<vmem>>, vector<16xf32>,
      %add3A_406 = arith.addf %add3A_366, %get3A_405 : vector<16xf32>
      %get3A_407 = arith.constant 9 : i32
      %get3A_408 = arith.index_cast %get3A_407 : i32 to index
      %get3A_409 = arith.constant 48 : index
      %get3A_410 = tpu.vector_load %arg7[%get3A_408, %get3A_409] {strides = array<i32>} : memref<32x64xf32, #tpu.memory_space<vmem>>, vector<16xf32>,
      %add3A_411 = arith.addf %add3A_371, %get3A_410 : vector<16xf32>
      %get3A_412 = arith.constant 9 : i32
      %get3A_413 = arith.index_cast %get3A_412 : i32 to index
      %get3A_414 = arith.constant 48 : index
      %get3A_415 = tpu.vector_load %arg8[%get3A_413, %get3A_414] {strides = array<i32>} : memref<32x64xf32, #tpu.memory_space<vmem>>, vector<16xf32>,
      %add3A_416 = arith.addf %add3A_376, %get3A_415 : vector<16xf32>
      %get3A_417 = arith.constant 10 : i32
      %get3A_418 = arith.index_cast %get3A_417 : i32 to index
      %get3A_419 = arith.constant 0 : index
      %get3A_420 = tpu.vector_load %arg7[%get3A_418, %get3A_419] {strides = array<i32>} : memref<32x64xf32, #tpu.memory_space<vmem>>, vector<16xf32>,
      %add3A_421 = arith.addf %add3A_381, %get3A_420 : vector<16xf32>
      %get3A_422 = arith.constant 10 : i32
      %get3A_423 = arith.index_cast %get3A_422 : i32 to index
      %get3A_424 = arith.constant 0 : index
      %get3A_425 = tpu.vector_load %arg8[%get3A_423, %get3A_424] {strides = array<i32>} : memref<32x64xf32, #tpu.memory_space<vmem>>, vector<16xf32>,
      %add3A_426 = arith.addf %add3A_386, %get3A_425 : vector<16xf32>
      %get3A_427 = arith.constant 10 : i32
      %get3A_428 = arith.index_cast %get3A_427 : i32 to index
      %get3A_429 = arith.constant 16 : index
      %get3A_430 = tpu.vector_load %arg7[%get3A_428, %get3A_429] {strides = array<i32>} : memref<32x64xf32, #tpu.memory_space<vmem>>, vector<16xf32>,
      %add3A_431 = arith.addf %add3A_391, %get3A_430 : vector<16xf32>
      %get3A_432 = arith.constant 10 : i32
      %get3A_433 = arith.index_cast %get3A_432 : i32 to index
      %get3A_434 = arith.constant 16 : index
      %get3A_435 = tpu.vector_load %arg8[%get3A_433, %get3A_434] {strides = array<i32>} : memref<32x64xf32, #tpu.memory_space<vmem>>, vector<16xf32>,
      %add3A_436 = arith.addf %add3A_396, %get3A_435 : vector<16xf32>
      %get3A_437 = arith.constant 10 : i32
      %get3A_438 = arith.index_cast %get3A_437 : i32 to index
      %get3A_439 = arith.constant 32 : index
      %get3A_440 = tpu.vector_load %arg7[%get3A_438, %get3A_439] {strides = array<i32>} : memref<32x64xf32, #tpu.memory_space<vmem>>, vector<16xf32>,
      %add3A_441 = arith.addf %add3A_401, %get3A_440 : vector<16xf32>
      %get3A_442 = arith.constant 10 : i32
      %get3A_443 = arith.index_cast %get3A_442 : i32 to index
      %get3A_444 = arith.constant 32 : index
      %get3A_445 = tpu.vector_load %arg8[%get3A_443, %get3A_444] {strides = array<i32>} : memref<32x64xf32, #tpu.memory_space<vmem>>, vector<16xf32>,
      %add3A_446 = arith.addf %add3A_406, %get3A_445 : vector<16xf32>
      %get3A_447 = arith.constant 10 : i32
      %get3A_448 = arith.index_cast %get3A_447 : i32 to index
      %get3A_449 = arith.constant 48 : index
      %get3A_450 = tpu.vector_load %arg7[%get3A_448, %get3A_449] {strides = array<i32>} : memref<32x64xf32, #tpu.memory_space<vmem>>, vector<16xf32>,
      %add3A_451 = arith.addf %add3A_411, %get3A_450 : vector<16xf32>
      %get3A_452 = arith.constant 10 : i32
      %get3A_453 = arith.index_cast %get3A_452 : i32 to index
      %get3A_454 = arith.constant 48 : index
      %get3A_455 = tpu.vector_load %arg8[%get3A_453, %get3A_454] {strides = array<i32>} : memref<32x64xf32, #tpu.memory_space<vmem>>, vector<16xf32>,
      %add3A_456 = arith.addf %add3A_416, %get3A_455 : vector<16xf32>
      %get3A_457 = arith.constant 11 : i32
      %get3A_458 = arith.index_cast %get3A_457 : i32 to index
      %get3A_459 = arith.constant 0 : index
      %get3A_460 = tpu.vector_load %arg7[%get3A_458, %get3A_459] {strides = array<i32>} : memref<32x64xf32, #tpu.memory_space<vmem>>, vector<16xf32>,
      %add3A_461 = arith.addf %add3A_421, %get3A_460 : vector<16xf32>
      %get3A_462 = arith.constant 11 : i32
      %get3A_463 = arith.index_cast %get3A_462 : i32 to index
      %get3A_464 = arith.constant 0 : index
      %get3A_465 = tpu.vector_load %arg8[%get3A_463, %get3A_464] {strides = array<i32>} : memref<32x64xf32, #tpu.memory_space<vmem>>, vector<16xf32>,
      %add3A_466 = arith.addf %add3A_426, %get3A_465 : vector<16xf32>
      %get3A_467 = arith.constant 11 : i32
      %get3A_468 = arith.index_cast %get3A_467 : i32 to index
      %get3A_469 = arith.constant 16 : index
      %get3A_470 = tpu.vector_load %arg7[%get3A_468, %get3A_469] {strides = array<i32>} : memref<32x64xf32, #tpu.memory_space<vmem>>, vector<16xf32>,
      %add3A_471 = arith.addf %add3A_431, %get3A_470 : vector<16xf32>
      %get3A_472 = arith.constant 11 : i32
      %get3A_473 = arith.index_cast %get3A_472 : i32 to index
      %get3A_474 = arith.constant 16 : index
      %get3A_475 = tpu.vector_load %arg8[%get3A_473, %get3A_474] {strides = array<i32>} : memref<32x64xf32, #tpu.memory_space<vmem>>, vector<16xf32>,
      %add3A_476 = arith.addf %add3A_436, %get3A_475 : vector<16xf32>
      %get3A_477 = arith.constant 11 : i32
      %get3A_478 = arith.index_cast %get3A_477 : i32 to index
      %get3A_479 = arith.constant 32 : index
      %get3A_480 = tpu.vector_load %arg7[%get3A_478, %get3A_479] {strides = array<i32>} : memref<32x64xf32, #tpu.memory_space<vmem>>, vector<16xf32>,
      %add3A_481 = arith.addf %add3A_441, %get3A_480 : vector<16xf32>
      %get3A_482 = arith.constant 11 : i32
      %get3A_483 = arith.index_cast %get3A_482 : i32 to index
      %get3A_484 = arith.constant 32 : index
      %get3A_485 = tpu.vector_load %arg8[%get3A_483, %get3A_484] {strides = array<i32>} : memref<32x64xf32, #tpu.memory_space<vmem>>, vector<16xf32>,
      %add3A_486 = arith.addf %add3A_446, %get3A_485 : vector<16xf32>
      %get3A_487 = arith.constant 11 : i32
      %get3A_488 = arith.index_cast %get3A_487 : i32 to index
      %get3A_489 = arith.constant 48 : index
      %get3A_490 = tpu.vector_load %arg7[%get3A_488, %get3A_489] {strides = array<i32>} : memref<32x64xf32, #tpu.memory_space<vmem>>, vector<16xf32>,
      %add3A_491 = arith.addf %add3A_451, %get3A_490 : vector<16xf32>
      %get3A_492 = arith.constant 11 : i32
      %get3A_493 = arith.index_cast %get3A_492 : i32 to index
      %get3A_494 = arith.constant 48 : index
      %get3A_495 = tpu.vector_load %arg8[%get3A_493, %get3A_494] {strides = array<i32>} : memref<32x64xf32, #tpu.memory_space<vmem>>, vector<16xf32>,
      %add3A_496 = arith.addf %add3A_456, %get3A_495 : vector<16xf32>
      %get3A_497 = arith.constant 12 : i32
      %get3A_498 = arith.index_cast %get3A_497 : i32 to index
      %get3A_499 = arith.constant 0 : index
      %get3A_500 = tpu.vector_load %arg7[%get3A_498, %get3A_499] {strides = array<i32>} : memref<32x64xf32, #tpu.memory_space<vmem>>, vector<16xf32>,
      %add3A_501 = arith.addf %add3A_461, %get3A_500 : vector<16xf32>
      %get3A_502 = arith.constant 12 : i32
      %get3A_503 = arith.index_cast %get3A_502 : i32 to index
      %get3A_504 = arith.constant 0 : index
      %get3A_505 = tpu.vector_load %arg8[%get3A_503, %get3A_504] {strides = array<i32>} : memref<32x64xf32, #tpu.memory_space<vmem>>, vector<16xf32>,
      %add3A_506 = arith.addf %add3A_466, %get3A_505 : vector<16xf32>
      %get3A_507 = arith.constant 12 : i32
      %get3A_508 = arith.index_cast %get3A_507 : i32 to index
      %get3A_509 = arith.constant 16 : index
      %get3A_510 = tpu.vector_load %arg7[%get3A_508, %get3A_509] {strides = array<i32>} : memref<32x64xf32, #tpu.memory_space<vmem>>, vector<16xf32>,
      %add3A_511 = arith.addf %add3A_471, %get3A_510 : vector<16xf32>
      %get3A_512 = arith.constant 12 : i32
      %get3A_513 = arith.index_cast %get3A_512 : i32 to index
      %get3A_514 = arith.constant 16 : index
      %get3A_515 = tpu.vector_load %arg8[%get3A_513, %get3A_514] {strides = array<i32>} : memref<32x64xf32, #tpu.memory_space<vmem>>, vector<16xf32>,
      %add3A_516 = arith.addf %add3A_476, %get3A_515 : vector<16xf32>
      %get3A_517 = arith.constant 12 : i32
      %get3A_518 = arith.index_cast %get3A_517 : i32 to index
      %get3A_519 = arith.constant 32 : index
      %get3A_520 = tpu.vector_load %arg7[%get3A_518, %get3A_519] {strides = array<i32>} : memref<32x64xf32, #tpu.memory_space<vmem>>, vector<16xf32>,
      %add3A_521 = arith.addf %add3A_481, %get3A_520 : vector<16xf32>
      %get3A_522 = arith.constant 12 : i32
      %get3A_523 = arith.index_cast %get3A_522 : i32 to index
      %get3A_524 = arith.constant 32 : index
      %get3A_525 = tpu.vector_load %arg8[%get3A_523, %get3A_524] {strides = array<i32>} : memref<32x64xf32, #tpu.memory_space<vmem>>, vector<16xf32>,
      %add3A_526 = arith.addf %add3A_486, %get3A_525 : vector<16xf32>
      %get3A_527 = arith.constant 12 : i32
      %get3A_528 = arith.index_cast %get3A_527 : i32 to index
      %get3A_529 = arith.constant 48 : index
      %get3A_530 = tpu.vector_load %arg7[%get3A_528, %get3A_529] {strides = array<i32>} : memref<32x64xf32, #tpu.memory_space<vmem>>, vector<16xf32>,
      %add3A_531 = arith.addf %add3A_491, %get3A_530 : vector<16xf32>
      %get3A_532 = arith.constant 12 : i32
      %get3A_533 = arith.index_cast %get3A_532 : i32 to index
      %get3A_534 = arith.constant 48 : index
      %get3A_535 = tpu.vector_load %arg8[%get3A_533, %get3A_534] {strides = array<i32>} : memref<32x64xf32, #tpu.memory_space<vmem>>, vector<16xf32>,
      %add3A_536 = arith.addf %add3A_496, %get3A_535 : vector<16xf32>
      %get3A_537 = arith.constant 13 : i32
      %get3A_538 = arith.index_cast %get3A_537 : i32 to index
      %get3A_539 = arith.constant 0 : index
      %get3A_540 = tpu.vector_load %arg7[%get3A_538, %get3A_539] {strides = array<i32>} : memref<32x64xf32, #tpu.memory_space<vmem>>, vector<16xf32>,
      %add3A_541 = arith.addf %add3A_501, %get3A_540 : vector<16xf32>
      %get3A_542 = arith.constant 13 : i32
      %get3A_543 = arith.index_cast %get3A_542 : i32 to index
      %get3A_544 = arith.constant 0 : index
      %get3A_545 = tpu.vector_load %arg8[%get3A_543, %get3A_544] {strides = array<i32>} : memref<32x64xf32, #tpu.memory_space<vmem>>, vector<16xf32>,
      %add3A_546 = arith.addf %add3A_506, %get3A_545 : vector<16xf32>
      %get3A_547 = arith.constant 13 : i32
      %get3A_548 = arith.index_cast %get3A_547 : i32 to index
      %get3A_549 = arith.constant 16 : index
      %get3A_550 = tpu.vector_load %arg7[%get3A_548, %get3A_549] {strides = array<i32>} : memref<32x64xf32, #tpu.memory_space<vmem>>, vector<16xf32>,
      %add3A_551 = arith.addf %add3A_511, %get3A_550 : vector<16xf32>
      %get3A_552 = arith.constant 13 : i32
      %get3A_553 = arith.index_cast %get3A_552 : i32 to index
      %get3A_554 = arith.constant 16 : index
      %get3A_555 = tpu.vector_load %arg8[%get3A_553, %get3A_554] {strides = array<i32>} : memref<32x64xf32, #tpu.memory_space<vmem>>, vector<16xf32>,
      %add3A_556 = arith.addf %add3A_516, %get3A_555 : vector<16xf32>
      %get3A_557 = arith.constant 13 : i32
      %get3A_558 = arith.index_cast %get3A_557 : i32 to index
      %get3A_559 = arith.constant 32 : index
      %get3A_560 = tpu.vector_load %arg7[%get3A_558, %get3A_559] {strides = array<i32>} : memref<32x64xf32, #tpu.memory_space<vmem>>, vector<16xf32>,
      %add3A_561 = arith.addf %add3A_521, %get3A_560 : vector<16xf32>
      %get3A_562 = arith.constant 13 : i32
      %get3A_563 = arith.index_cast %get3A_562 : i32 to index
      %get3A_564 = arith.constant 32 : index
      %get3A_565 = tpu.vector_load %arg8[%get3A_563, %get3A_564] {strides = array<i32>} : memref<32x64xf32, #tpu.memory_space<vmem>>, vector<16xf32>,
      %add3A_566 = arith.addf %add3A_526, %get3A_565 : vector<16xf32>
      %get3A_567 = arith.constant 13 : i32
      %get3A_568 = arith.index_cast %get3A_567 : i32 to index
      %get3A_569 = arith.constant 48 : index
      %get3A_570 = tpu.vector_load %arg7[%get3A_568, %get3A_569] {strides = array<i32>} : memref<32x64xf32, #tpu.memory_space<vmem>>, vector<16xf32>,
      %add3A_571 = arith.addf %add3A_531, %get3A_570 : vector<16xf32>
      %get3A_572 = arith.constant 13 : i32
      %get3A_573 = arith.index_cast %get3A_572 : i32 to index
      %get3A_574 = arith.constant 48 : index
      %get3A_575 = tpu.vector_load %arg8[%get3A_573, %get3A_574] {strides = array<i32>} : memref<32x64xf32, #tpu.memory_space<vmem>>, vector<16xf32>,
      %add3A_576 = arith.addf %add3A_536, %get3A_575 : vector<16xf32>
      %get3A_577 = arith.constant 14 : i32
      %get3A_578 = arith.index_cast %get3A_577 : i32 to index
      %get3A_579 = arith.constant 0 : index
      %get3A_580 = tpu.vector_load %arg7[%get3A_578, %get3A_579] {strides = array<i32>} : memref<32x64xf32, #tpu.memory_space<vmem>>, vector<16xf32>,
      %add3A_581 = arith.addf %add3A_541, %get3A_580 : vector<16xf32>
      %get3A_582 = arith.constant 14 : i32
      %get3A_583 = arith.index_cast %get3A_582 : i32 to index
      %get3A_584 = arith.constant 0 : index
      %get3A_585 = tpu.vector_load %arg8[%get3A_583, %get3A_584] {strides = array<i32>} : memref<32x64xf32, #tpu.memory_space<vmem>>, vector<16xf32>,
      %add3A_586 = arith.addf %add3A_546, %get3A_585 : vector<16xf32>
      %get3A_587 = arith.constant 14 : i32
      %get3A_588 = arith.index_cast %get3A_587 : i32 to index
      %get3A_589 = arith.constant 16 : index
      %get3A_590 = tpu.vector_load %arg7[%get3A_588, %get3A_589] {strides = array<i32>} : memref<32x64xf32, #tpu.memory_space<vmem>>, vector<16xf32>,
      %add3A_591 = arith.addf %add3A_551, %get3A_590 : vector<16xf32>
      %get3A_592 = arith.constant 14 : i32
      %get3A_593 = arith.index_cast %get3A_592 : i32 to index
      %get3A_594 = arith.constant 16 : index
      %get3A_595 = tpu.vector_load %arg8[%get3A_593, %get3A_594] {strides = array<i32>} : memref<32x64xf32, #tpu.memory_space<vmem>>, vector<16xf32>,
      %add3A_596 = arith.addf %add3A_556, %get3A_595 : vector<16xf32>
      %get3A_597 = arith.constant 14 : i32
      %get3A_598 = arith.index_cast %get3A_597 : i32 to index
      %get3A_599 = arith.constant 32 : index
      %get3A_600 = tpu.vector_load %arg7[%get3A_598, %get3A_599] {strides = array<i32>} : memref<32x64xf32, #tpu.memory_space<vmem>>, vector<16xf32>,
      %add3A_601 = arith.addf %add3A_561, %get3A_600 : vector<16xf32>
      %get3A_602 = arith.constant 14 : i32
      %get3A_603 = arith.index_cast %get3A_602 : i32 to index
      %get3A_604 = arith.constant 32 : index
      %get3A_605 = tpu.vector_load %arg8[%get3A_603, %get3A_604] {strides = array<i32>} : memref<32x64xf32, #tpu.memory_space<vmem>>, vector<16xf32>,
      %add3A_606 = arith.addf %add3A_566, %get3A_605 : vector<16xf32>
      %get3A_607 = arith.constant 14 : i32
      %get3A_608 = arith.index_cast %get3A_607 : i32 to index
      %get3A_609 = arith.constant 48 : index
      %get3A_610 = tpu.vector_load %arg7[%get3A_608, %get3A_609] {strides = array<i32>} : memref<32x64xf32, #tpu.memory_space<vmem>>, vector<16xf32>,
      %add3A_611 = arith.addf %add3A_571, %get3A_610 : vector<16xf32>
      %get3A_612 = arith.constant 14 : i32
      %get3A_613 = arith.index_cast %get3A_612 : i32 to index
      %get3A_614 = arith.constant 48 : index
      %get3A_615 = tpu.vector_load %arg8[%get3A_613, %get3A_614] {strides = array<i32>} : memref<32x64xf32, #tpu.memory_space<vmem>>, vector<16xf32>,
      %add3A_616 = arith.addf %add3A_576, %get3A_615 : vector<16xf32>
      %get3A_617 = arith.constant 15 : i32
      %get3A_618 = arith.index_cast %get3A_617 : i32 to index
      %get3A_619 = arith.constant 0 : index
      %get3A_620 = tpu.vector_load %arg7[%get3A_618, %get3A_619] {strides = array<i32>} : memref<32x64xf32, #tpu.memory_space<vmem>>, vector<16xf32>,
      %add3A_621 = arith.addf %add3A_581, %get3A_620 : vector<16xf32>
      %get3A_622 = arith.constant 15 : i32
      %get3A_623 = arith.index_cast %get3A_622 : i32 to index
      %get3A_624 = arith.constant 0 : index
      %get3A_625 = tpu.vector_load %arg8[%get3A_623, %get3A_624] {strides = array<i32>} : memref<32x64xf32, #tpu.memory_space<vmem>>, vector<16xf32>,
      %add3A_626 = arith.addf %add3A_586, %get3A_625 : vector<16xf32>
      %get3A_627 = arith.constant 15 : i32
      %get3A_628 = arith.index_cast %get3A_627 : i32 to index
      %get3A_629 = arith.constant 16 : index
      %get3A_630 = tpu.vector_load %arg7[%get3A_628, %get3A_629] {strides = array<i32>} : memref<32x64xf32, #tpu.memory_space<vmem>>, vector<16xf32>,
      %add3A_631 = arith.addf %add3A_591, %get3A_630 : vector<16xf32>
      %get3A_632 = arith.constant 15 : i32
      %get3A_633 = arith.index_cast %get3A_632 : i32 to index
      %get3A_634 = arith.constant 16 : index
      %get3A_635 = tpu.vector_load %arg8[%get3A_633, %get3A_634] {strides = array<i32>} : memref<32x64xf32, #tpu.memory_space<vmem>>, vector<16xf32>,
      %add3A_636 = arith.addf %add3A_596, %get3A_635 : vector<16xf32>
      %get3A_637 = arith.constant 15 : i32
      %get3A_638 = arith.index_cast %get3A_637 : i32 to index
      %get3A_639 = arith.constant 32 : index
      %get3A_640 = tpu.vector_load %arg7[%get3A_638, %get3A_639] {strides = array<i32>} : memref<32x64xf32, #tpu.memory_space<vmem>>, vector<16xf32>,
      %add3A_641 = arith.addf %add3A_601, %get3A_640 : vector<16xf32>
      %get3A_642 = arith.constant 15 : i32
      %get3A_643 = arith.index_cast %get3A_642 : i32 to index
      %get3A_644 = arith.constant 32 : index
      %get3A_645 = tpu.vector_load %arg8[%get3A_643, %get3A_644] {strides = array<i32>} : memref<32x64xf32, #tpu.memory_space<vmem>>, vector<16xf32>,
      %add3A_646 = arith.addf %add3A_606, %get3A_645 : vector<16xf32>
      %get3A_647 = arith.constant 15 : i32
      %get3A_648 = arith.index_cast %get3A_647 : i32 to index
      %get3A_649 = arith.constant 48 : index
      %get3A_650 = tpu.vector_load %arg7[%get3A_648, %get3A_649] {strides = array<i32>} : memref<32x64xf32, #tpu.memory_space<vmem>>, vector<16xf32>,
      %add3A_651 = arith.addf %add3A_611, %get3A_650 : vector<16xf32>
      %get3A_652 = arith.constant 15 : i32
      %get3A_653 = arith.index_cast %get3A_652 : i32 to index
      %get3A_654 = arith.constant 48 : index
      %get3A_655 = tpu.vector_load %arg8[%get3A_653, %get3A_654] {strides = array<i32>} : memref<32x64xf32, #tpu.memory_space<vmem>>, vector<16xf32>,
      %add3A_656 = arith.addf %add3A_616, %get3A_655 : vector<16xf32>
      %get3A_657 = arith.constant 16 : i32
      %get3A_658 = arith.index_cast %get3A_657 : i32 to index
      %get3A_659 = arith.constant 0 : index
      %get3A_660 = tpu.vector_load %arg7[%get3A_658, %get3A_659] {strides = array<i32>} : memref<32x64xf32, #tpu.memory_space<vmem>>, vector<16xf32>,
      %add3A_661 = arith.addf %add3A_621, %get3A_660 : vector<16xf32>
      %get3A_662 = arith.constant 16 : i32
      %get3A_663 = arith.index_cast %get3A_662 : i32 to index
      %get3A_664 = arith.constant 0 : index
      %get3A_665 = tpu.vector_load %arg8[%get3A_663, %get3A_664] {strides = array<i32>} : memref<32x64xf32, #tpu.memory_space<vmem>>, vector<16xf32>,
      %add3A_666 = arith.addf %add3A_626, %get3A_665 : vector<16xf32>
      %get3A_667 = arith.constant 16 : i32
      %get3A_668 = arith.index_cast %get3A_667 : i32 to index
      %get3A_669 = arith.constant 16 : index
      %get3A_670 = tpu.vector_load %arg7[%get3A_668, %get3A_669] {strides = array<i32>} : memref<32x64xf32, #tpu.memory_space<vmem>>, vector<16xf32>,
      %add3A_671 = arith.addf %add3A_631, %get3A_670 : vector<16xf32>
      %get3A_672 = arith.constant 16 : i32
      %get3A_673 = arith.index_cast %get3A_672 : i32 to index
      %get3A_674 = arith.constant 16 : index
      %get3A_675 = tpu.vector_load %arg8[%get3A_673, %get3A_674] {strides = array<i32>} : memref<32x64xf32, #tpu.memory_space<vmem>>, vector<16xf32>,
      %add3A_676 = arith.addf %add3A_636, %get3A_675 : vector<16xf32>
      %get3A_677 = arith.constant 16 : i32
      %get3A_678 = arith.index_cast %get3A_677 : i32 to index
      %get3A_679 = arith.constant 32 : index
      %get3A_680 = tpu.vector_load %arg7[%get3A_678, %get3A_679] {strides = array<i32>} : memref<32x64xf32, #tpu.memory_space<vmem>>, vector<16xf32>,
      %add3A_681 = arith.addf %add3A_641, %get3A_680 : vector<16xf32>
      %get3A_682 = arith.constant 16 : i32
      %get3A_683 = arith.index_cast %get3A_682 : i32 to index
      %get3A_684 = arith.constant 32 : index
      %get3A_685 = tpu.vector_load %arg8[%get3A_683, %get3A_684] {strides = array<i32>} : memref<32x64xf32, #tpu.memory_space<vmem>>, vector<16xf32>,
      %add3A_686 = arith.addf %add3A_646, %get3A_685 : vector<16xf32>
      %get3A_687 = arith.constant 16 : i32
      %get3A_688 = arith.index_cast %get3A_687 : i32 to index
      %get3A_689 = arith.constant 48 : index
      %get3A_690 = tpu.vector_load %arg7[%get3A_688, %get3A_689] {strides = array<i32>} : memref<32x64xf32, #tpu.memory_space<vmem>>, vector<16xf32>,
      %add3A_691 = arith.addf %add3A_651, %get3A_690 : vector<16xf32>
      %get3A_692 = arith.constant 16 : i32
      %get3A_693 = arith.index_cast %get3A_692 : i32 to index
      %get3A_694 = arith.constant 48 : index
      %get3A_695 = tpu.vector_load %arg8[%get3A_693, %get3A_694] {strides = array<i32>} : memref<32x64xf32, #tpu.memory_space<vmem>>, vector<16xf32>,
      %add3A_696 = arith.addf %add3A_656, %get3A_695 : vector<16xf32>
      %get3A_697 = arith.constant 17 : i32
      %get3A_698 = arith.index_cast %get3A_697 : i32 to index
      %get3A_699 = arith.constant 0 : index
      %get3A_700 = tpu.vector_load %arg7[%get3A_698, %get3A_699] {strides = array<i32>} : memref<32x64xf32, #tpu.memory_space<vmem>>, vector<16xf32>,
      %add3A_701 = arith.addf %add3A_661, %get3A_700 : vector<16xf32>
      %get3A_702 = arith.constant 17 : i32
      %get3A_703 = arith.index_cast %get3A_702 : i32 to index
      %get3A_704 = arith.constant 0 : index
      %get3A_705 = tpu.vector_load %arg8[%get3A_703, %get3A_704] {strides = array<i32>} : memref<32x64xf32, #tpu.memory_space<vmem>>, vector<16xf32>,
      %add3A_706 = arith.addf %add3A_666, %get3A_705 : vector<16xf32>
      %get3A_707 = arith.constant 17 : i32
      %get3A_708 = arith.index_cast %get3A_707 : i32 to index
      %get3A_709 = arith.constant 16 : index
      %get3A_710 = tpu.vector_load %arg7[%get3A_708, %get3A_709] {strides = array<i32>} : memref<32x64xf32, #tpu.memory_space<vmem>>, vector<16xf32>,
      %add3A_711 = arith.addf %add3A_671, %get3A_710 : vector<16xf32>
      %get3A_712 = arith.constant 17 : i32
      %get3A_713 = arith.index_cast %get3A_712 : i32 to index
      %get3A_714 = arith.constant 16 : index
      %get3A_715 = tpu.vector_load %arg8[%get3A_713, %get3A_714] {strides = array<i32>} : memref<32x64xf32, #tpu.memory_space<vmem>>, vector<16xf32>,
      %add3A_716 = arith.addf %add3A_676, %get3A_715 : vector<16xf32>
      %get3A_717 = arith.constant 17 : i32
      %get3A_718 = arith.index_cast %get3A_717 : i32 to index
      %get3A_719 = arith.constant 32 : index
      %get3A_720 = tpu.vector_load %arg7[%get3A_718, %get3A_719] {strides = array<i32>} : memref<32x64xf32, #tpu.memory_space<vmem>>, vector<16xf32>,
      %add3A_721 = arith.addf %add3A_681, %get3A_720 : vector<16xf32>
      %get3A_722 = arith.constant 17 : i32
      %get3A_723 = arith.index_cast %get3A_722 : i32 to index
      %get3A_724 = arith.constant 32 : index
      %get3A_725 = tpu.vector_load %arg8[%get3A_723, %get3A_724] {strides = array<i32>} : memref<32x64xf32, #tpu.memory_space<vmem>>, vector<16xf32>,
      %add3A_726 = arith.addf %add3A_686, %get3A_725 : vector<16xf32>
      %get3A_727 = arith.constant 17 : i32
      %get3A_728 = arith.index_cast %get3A_727 : i32 to index
      %get3A_729 = arith.constant 48 : index
      %get3A_730 = tpu.vector_load %arg7[%get3A_728, %get3A_729] {strides = array<i32>} : memref<32x64xf32, #tpu.memory_space<vmem>>, vector<16xf32>,
      %add3A_731 = arith.addf %add3A_691, %get3A_730 : vector<16xf32>
      %get3A_732 = arith.constant 17 : i32
      %get3A_733 = arith.index_cast %get3A_732 : i32 to index
      %get3A_734 = arith.constant 48 : index
      %get3A_735 = tpu.vector_load %arg8[%get3A_733, %get3A_734] {strides = array<i32>} : memref<32x64xf32, #tpu.memory_space<vmem>>, vector<16xf32>,
      %add3A_736 = arith.addf %add3A_696, %get3A_735 : vector<16xf32>
      %get3A_737 = arith.constant 18 : i32
      %get3A_738 = arith.index_cast %get3A_737 : i32 to index
      %get3A_739 = arith.constant 0 : index
      %get3A_740 = tpu.vector_load %arg7[%get3A_738, %get3A_739] {strides = array<i32>} : memref<32x64xf32, #tpu.memory_space<vmem>>, vector<16xf32>,
      %add3A_741 = arith.addf %add3A_701, %get3A_740 : vector<16xf32>
      %get3A_742 = arith.constant 18 : i32
      %get3A_743 = arith.index_cast %get3A_742 : i32 to index
      %get3A_744 = arith.constant 0 : index
      %get3A_745 = tpu.vector_load %arg8[%get3A_743, %get3A_744] {strides = array<i32>} : memref<32x64xf32, #tpu.memory_space<vmem>>, vector<16xf32>,
      %add3A_746 = arith.addf %add3A_706, %get3A_745 : vector<16xf32>
      %get3A_747 = arith.constant 18 : i32
      %get3A_748 = arith.index_cast %get3A_747 : i32 to index
      %get3A_749 = arith.constant 16 : index
      %get3A_750 = tpu.vector_load %arg7[%get3A_748, %get3A_749] {strides = array<i32>} : memref<32x64xf32, #tpu.memory_space<vmem>>, vector<16xf32>,
      %add3A_751 = arith.addf %add3A_711, %get3A_750 : vector<16xf32>
      %get3A_752 = arith.constant 18 : i32
      %get3A_753 = arith.index_cast %get3A_752 : i32 to index
      %get3A_754 = arith.constant 16 : index
      %get3A_755 = tpu.vector_load %arg8[%get3A_753, %get3A_754] {strides = array<i32>} : memref<32x64xf32, #tpu.memory_space<vmem>>, vector<16xf32>,
      %add3A_756 = arith.addf %add3A_716, %get3A_755 : vector<16xf32>
      %get3A_757 = arith.constant 18 : i32
      %get3A_758 = arith.index_cast %get3A_757 : i32 to index
      %get3A_759 = arith.constant 32 : index
      %get3A_760 = tpu.vector_load %arg7[%get3A_758, %get3A_759] {strides = array<i32>} : memref<32x64xf32, #tpu.memory_space<vmem>>, vector<16xf32>,
      %add3A_761 = arith.addf %add3A_721, %get3A_760 : vector<16xf32>
      %get3A_762 = arith.constant 18 : i32
      %get3A_763 = arith.index_cast %get3A_762 : i32 to index
      %get3A_764 = arith.constant 32 : index
      %get3A_765 = tpu.vector_load %arg8[%get3A_763, %get3A_764] {strides = array<i32>} : memref<32x64xf32, #tpu.memory_space<vmem>>, vector<16xf32>,
      %add3A_766 = arith.addf %add3A_726, %get3A_765 : vector<16xf32>
      %get3A_767 = arith.constant 18 : i32
      %get3A_768 = arith.index_cast %get3A_767 : i32 to index
      %get3A_769 = arith.constant 48 : index
      %get3A_770 = tpu.vector_load %arg7[%get3A_768, %get3A_769] {strides = array<i32>} : memref<32x64xf32, #tpu.memory_space<vmem>>, vector<16xf32>,
      %add3A_771 = arith.addf %add3A_731, %get3A_770 : vector<16xf32>
      %get3A_772 = arith.constant 18 : i32
      %get3A_773 = arith.index_cast %get3A_772 : i32 to index
      %get3A_774 = arith.constant 48 : index
      %get3A_775 = tpu.vector_load %arg8[%get3A_773, %get3A_774] {strides = array<i32>} : memref<32x64xf32, #tpu.memory_space<vmem>>, vector<16xf32>,
      %add3A_776 = arith.addf %add3A_736, %get3A_775 : vector<16xf32>
      %get3A_777 = arith.constant 19 : i32
      %get3A_778 = arith.index_cast %get3A_777 : i32 to index
      %get3A_779 = arith.constant 0 : index
      %get3A_780 = tpu.vector_load %arg7[%get3A_778, %get3A_779] {strides = array<i32>} : memref<32x64xf32, #tpu.memory_space<vmem>>, vector<16xf32>,
      %add3A_781 = arith.addf %add3A_741, %get3A_780 : vector<16xf32>
      %get3A_782 = arith.constant 19 : i32
      %get3A_783 = arith.index_cast %get3A_782 : i32 to index
      %get3A_784 = arith.constant 0 : index
      %get3A_785 = tpu.vector_load %arg8[%get3A_783, %get3A_784] {strides = array<i32>} : memref<32x64xf32, #tpu.memory_space<vmem>>, vector<16xf32>,
      %add3A_786 = arith.addf %add3A_746, %get3A_785 : vector<16xf32>
      %get3A_787 = arith.constant 19 : i32
      %get3A_788 = arith.index_cast %get3A_787 : i32 to index
      %get3A_789 = arith.constant 16 : index
      %get3A_790 = tpu.vector_load %arg7[%get3A_788, %get3A_789] {strides = array<i32>} : memref<32x64xf32, #tpu.memory_space<vmem>>, vector<16xf32>,
      %add3A_791 = arith.addf %add3A_751, %get3A_790 : vector<16xf32>
      %get3A_792 = arith.constant 19 : i32
      %get3A_793 = arith.index_cast %get3A_792 : i32 to index
      %get3A_794 = arith.constant 16 : index
      %get3A_795 = tpu.vector_load %arg8[%get3A_793, %get3A_794] {strides = array<i32>} : memref<32x64xf32, #tpu.memory_space<vmem>>, vector<16xf32>,
      %add3A_796 = arith.addf %add3A_756, %get3A_795 : vector<16xf32>
      %get3A_797 = arith.constant 19 : i32
      %get3A_798 = arith.index_cast %get3A_797 : i32 to index
      %get3A_799 = arith.constant 32 : index
      %get3A_800 = tpu.vector_load %arg7[%get3A_798, %get3A_799] {strides = array<i32>} : memref<32x64xf32, #tpu.memory_space<vmem>>, vector<16xf32>,
      %add3A_801 = arith.addf %add3A_761, %get3A_800 : vector<16xf32>
      %get3A_802 = arith.constant 19 : i32
      %get3A_803 = arith.index_cast %get3A_802 : i32 to index
      %get3A_804 = arith.constant 32 : index
      %get3A_805 = tpu.vector_load %arg8[%get3A_803, %get3A_804] {strides = array<i32>} : memref<32x64xf32, #tpu.memory_space<vmem>>, vector<16xf32>,
      %add3A_806 = arith.addf %add3A_766, %get3A_805 : vector<16xf32>
      %get3A_807 = arith.constant 19 : i32
      %get3A_808 = arith.index_cast %get3A_807 : i32 to index
      %get3A_809 = arith.constant 48 : index
      %get3A_810 = tpu.vector_load %arg7[%get3A_808, %get3A_809] {strides = array<i32>} : memref<32x64xf32, #tpu.memory_space<vmem>>, vector<16xf32>,
      %add3A_811 = arith.addf %add3A_771, %get3A_810 : vector<16xf32>
      %get3A_812 = arith.constant 19 : i32
      %get3A_813 = arith.index_cast %get3A_812 : i32 to index
      %get3A_814 = arith.constant 48 : index
      %get3A_815 = tpu.vector_load %arg8[%get3A_813, %get3A_814] {strides = array<i32>} : memref<32x64xf32, #tpu.memory_space<vmem>>, vector<16xf32>,
      %add3A_816 = arith.addf %add3A_776, %get3A_815 : vector<16xf32>
      %get3A_817 = arith.constant 20 : i32
      %get3A_818 = arith.index_cast %get3A_817 : i32 to index
      %get3A_819 = arith.constant 0 : index
      %get3A_820 = tpu.vector_load %arg7[%get3A_818, %get3A_819] {strides = array<i32>} : memref<32x64xf32, #tpu.memory_space<vmem>>, vector<16xf32>,
      %add3A_821 = arith.addf %add3A_781, %get3A_820 : vector<16xf32>
      %get3A_822 = arith.constant 20 : i32
      %get3A_823 = arith.index_cast %get3A_822 : i32 to index
      %get3A_824 = arith.constant 0 : index
      %get3A_825 = tpu.vector_load %arg8[%get3A_823, %get3A_824] {strides = array<i32>} : memref<32x64xf32, #tpu.memory_space<vmem>>, vector<16xf32>,
      %add3A_826 = arith.addf %add3A_786, %get3A_825 : vector<16xf32>
      %get3A_827 = arith.constant 20 : i32
      %get3A_828 = arith.index_cast %get3A_827 : i32 to index
      %get3A_829 = arith.constant 16 : index
      %get3A_830 = tpu.vector_load %arg7[%get3A_828, %get3A_829] {strides = array<i32>} : memref<32x64xf32, #tpu.memory_space<vmem>>, vector<16xf32>,
      %add3A_831 = arith.addf %add3A_791, %get3A_830 : vector<16xf32>
      %get3A_832 = arith.constant 20 : i32
      %get3A_833 = arith.index_cast %get3A_832 : i32 to index
      %get3A_834 = arith.constant 16 : index
      %get3A_835 = tpu.vector_load %arg8[%get3A_833, %get3A_834] {strides = array<i32>} : memref<32x64xf32, #tpu.memory_space<vmem>>, vector<16xf32>,
      %add3A_836 = arith.addf %add3A_796, %get3A_835 : vector<16xf32>
      %get3A_837 = arith.constant 20 : i32
      %get3A_838 = arith.index_cast %get3A_837 : i32 to index
      %get3A_839 = arith.constant 32 : index
      %get3A_840 = tpu.vector_load %arg7[%get3A_838, %get3A_839] {strides = array<i32>} : memref<32x64xf32, #tpu.memory_space<vmem>>, vector<16xf32>,
      %add3A_841 = arith.addf %add3A_801, %get3A_840 : vector<16xf32>
      %get3A_842 = arith.constant 20 : i32
      %get3A_843 = arith.index_cast %get3A_842 : i32 to index
      %get3A_844 = arith.constant 32 : index
      %get3A_845 = tpu.vector_load %arg8[%get3A_843, %get3A_844] {strides = array<i32>} : memref<32x64xf32, #tpu.memory_space<vmem>>, vector<16xf32>,
      %add3A_846 = arith.addf %add3A_806, %get3A_845 : vector<16xf32>
      %get3A_847 = arith.constant 20 : i32
      %get3A_848 = arith.index_cast %get3A_847 : i32 to index
      %get3A_849 = arith.constant 48 : index
      %get3A_850 = tpu.vector_load %arg7[%get3A_848, %get3A_849] {strides = array<i32>} : memref<32x64xf32, #tpu.memory_space<vmem>>, vector<16xf32>,
      %add3A_851 = arith.addf %add3A_811, %get3A_850 : vector<16xf32>
      %get3A_852 = arith.constant 20 : i32
      %get3A_853 = arith.index_cast %get3A_852 : i32 to index
      %get3A_854 = arith.constant 48 : index
      %get3A_855 = tpu.vector_load %arg8[%get3A_853, %get3A_854] {strides = array<i32>} : memref<32x64xf32, #tpu.memory_space<vmem>>, vector<16xf32>,
      %add3A_856 = arith.addf %add3A_816, %get3A_855 : vector<16xf32>
      %get3A_857 = arith.constant 21 : i32
      %get3A_858 = arith.index_cast %get3A_857 : i32 to index
      %get3A_859 = arith.constant 0 : index
      %get3A_860 = tpu.vector_load %arg7[%get3A_858, %get3A_859] {strides = array<i32>} : memref<32x64xf32, #tpu.memory_space<vmem>>, vector<16xf32>,
      %add3A_861 = arith.addf %add3A_821, %get3A_860 : vector<16xf32>
      %get3A_862 = arith.constant 21 : i32
      %get3A_863 = arith.index_cast %get3A_862 : i32 to index
      %get3A_864 = arith.constant 0 : index
      %get3A_865 = tpu.vector_load %arg8[%get3A_863, %get3A_864] {strides = array<i32>} : memref<32x64xf32, #tpu.memory_space<vmem>>, vector<16xf32>,
      %add3A_866 = arith.addf %add3A_826, %get3A_865 : vector<16xf32>
      %get3A_867 = arith.constant 21 : i32
      %get3A_868 = arith.index_cast %get3A_867 : i32 to index
      %get3A_869 = arith.constant 16 : index
      %get3A_870 = tpu.vector_load %arg7[%get3A_868, %get3A_869] {strides = array<i32>} : memref<32x64xf32, #tpu.memory_space<vmem>>, vector<16xf32>,
      %add3A_871 = arith.addf %add3A_831, %get3A_870 : vector<16xf32>
      %get3A_872 = arith.constant 21 : i32
      %get3A_873 = arith.index_cast %get3A_872 : i32 to index
      %get3A_874 = arith.constant 16 : index
      %get3A_875 = tpu.vector_load %arg8[%get3A_873, %get3A_874] {strides = array<i32>} : memref<32x64xf32, #tpu.memory_space<vmem>>, vector<16xf32>,
      %add3A_876 = arith.addf %add3A_836, %get3A_875 : vector<16xf32>
      %get3A_877 = arith.constant 21 : i32
      %get3A_878 = arith.index_cast %get3A_877 : i32 to index
      %get3A_879 = arith.constant 32 : index
      %get3A_880 = tpu.vector_load %arg7[%get3A_878, %get3A_879] {strides = array<i32>} : memref<32x64xf32, #tpu.memory_space<vmem>>, vector<16xf32>,
      %add3A_881 = arith.addf %add3A_841, %get3A_880 : vector<16xf32>
      %get3A_882 = arith.constant 21 : i32
      %get3A_883 = arith.index_cast %get3A_882 : i32 to index
      %get3A_884 = arith.constant 32 : index
      %get3A_885 = tpu.vector_load %arg8[%get3A_883, %get3A_884] {strides = array<i32>} : memref<32x64xf32, #tpu.memory_space<vmem>>, vector<16xf32>,
      %add3A_886 = arith.addf %add3A_846, %get3A_885 : vector<16xf32>
      %get3A_887 = arith.constant 21 : i32
      %get3A_888 = arith.index_cast %get3A_887 : i32 to index
      %get3A_889 = arith.constant 48 : index
      %get3A_890 = tpu.vector_load %arg7[%get3A_888, %get3A_889] {strides = array<i32>} : memref<32x64xf32, #tpu.memory_space<vmem>>, vector<16xf32>,
      %add3A_891 = arith.addf %add3A_851, %get3A_890 : vector<16xf32>
      %get3A_892 = arith.constant 21 : i32
      %get3A_893 = arith.index_cast %get3A_892 : i32 to index
      %get3A_894 = arith.constant 48 : index
      %get3A_895 = tpu.vector_load %arg8[%get3A_893, %get3A_894] {strides = array<i32>} : memref<32x64xf32, #tpu.memory_space<vmem>>, vector<16xf32>,
      %add3A_896 = arith.addf %add3A_856, %get3A_895 : vector<16xf32>
      %get3A_897 = arith.constant 22 : i32
      %get3A_898 = arith.index_cast %get3A_897 : i32 to index
      %get3A_899 = arith.constant 0 : index
      %get3A_900 = tpu.vector_load %arg7[%get3A_898, %get3A_899] {strides = array<i32>} : memref<32x64xf32, #tpu.memory_space<vmem>>, vector<16xf32>,
      %add3A_901 = arith.addf %add3A_861, %get3A_900 : vector<16xf32>
      %get3A_902 = arith.constant 22 : i32
      %get3A_903 = arith.index_cast %get3A_902 : i32 to index
      %get3A_904 = arith.constant 0 : index
      %get3A_905 = tpu.vector_load %arg8[%get3A_903, %get3A_904] {strides = array<i32>} : memref<32x64xf32, #tpu.memory_space<vmem>>, vector<16xf32>,
      %add3A_906 = arith.addf %add3A_866, %get3A_905 : vector<16xf32>
      %get3A_907 = arith.constant 22 : i32
      %get3A_908 = arith.index_cast %get3A_907 : i32 to index
      %get3A_909 = arith.constant 16 : index
      %get3A_910 = tpu.vector_load %arg7[%get3A_908, %get3A_909] {strides = array<i32>} : memref<32x64xf32, #tpu.memory_space<vmem>>, vector<16xf32>,
      %add3A_911 = arith.addf %add3A_871, %get3A_910 : vector<16xf32>
      %get3A_912 = arith.constant 22 : i32
      %get3A_913 = arith.index_cast %get3A_912 : i32 to index
      %get3A_914 = arith.constant 16 : index
      %get3A_915 = tpu.vector_load %arg8[%get3A_913, %get3A_914] {strides = array<i32>} : memref<32x64xf32, #tpu.memory_space<vmem>>, vector<16xf32>,
      %add3A_916 = arith.addf %add3A_876, %get3A_915 : vector<16xf32>
      %get3A_917 = arith.constant 22 : i32
      %get3A_918 = arith.index_cast %get3A_917 : i32 to index
      %get3A_919 = arith.constant 32 : index
      %get3A_920 = tpu.vector_load %arg7[%get3A_918, %get3A_919] {strides = array<i32>} : memref<32x64xf32, #tpu.memory_space<vmem>>, vector<16xf32>,
      %add3A_921 = arith.addf %add3A_881, %get3A_920 : vector<16xf32>
      %get3A_922 = arith.constant 22 : i32
      %get3A_923 = arith.index_cast %get3A_922 : i32 to index
      %get3A_924 = arith.constant 32 : index
      %get3A_925 = tpu.vector_load %arg8[%get3A_923, %get3A_924] {strides = array<i32>} : memref<32x64xf32, #tpu.memory_space<vmem>>, vector<16xf32>,
      %add3A_926 = arith.addf %add3A_886, %get3A_925 : vector<16xf32>
      %get3A_927 = arith.constant 22 : i32
      %get3A_928 = arith.index_cast %get3A_927 : i32 to index
      %get3A_929 = arith.constant 48 : index
      %get3A_930 = tpu.vector_load %arg7[%get3A_928, %get3A_929] {strides = array<i32>} : memref<32x64xf32, #tpu.memory_space<vmem>>, vector<16xf32>,
      %add3A_931 = arith.addf %add3A_891, %get3A_930 : vector<16xf32>
      %get3A_932 = arith.constant 22 : i32
      %get3A_933 = arith.index_cast %get3A_932 : i32 to index
      %get3A_934 = arith.constant 48 : index
      %get3A_935 = tpu.vector_load %arg8[%get3A_933, %get3A_934] {strides = array<i32>} : memref<32x64xf32, #tpu.memory_space<vmem>>, vector<16xf32>,
      %add3A_936 = arith.addf %add3A_896, %get3A_935 : vector<16xf32>
      %get3A_937 = arith.constant 23 : i32
      %get3A_938 = arith.index_cast %get3A_937 : i32 to index
      %get3A_939 = arith.constant 0 : index
      %get3A_940 = tpu.vector_load %arg7[%get3A_938, %get3A_939] {strides = array<i32>} : memref<32x64xf32, #tpu.memory_space<vmem>>, vector<16xf32>,
      %add3A_941 = arith.addf %add3A_901, %get3A_940 : vector<16xf32>
      %get3A_942 = arith.constant 23 : i32
      %get3A_943 = arith.index_cast %get3A_942 : i32 to index
      %get3A_944 = arith.constant 0 : index
      %get3A_945 = tpu.vector_load %arg8[%get3A_943, %get3A_944] {strides = array<i32>} : memref<32x64xf32, #tpu.memory_space<vmem>>, vector<16xf32>,
      %add3A_946 = arith.addf %add3A_906, %get3A_945 : vector<16xf32>
      %get3A_947 = arith.constant 23 : i32
      %get3A_948 = arith.index_cast %get3A_947 : i32 to index
      %get3A_949 = arith.constant 16 : index
      %get3A_950 = tpu.vector_load %arg7[%get3A_948, %get3A_949] {strides = array<i32>} : memref<32x64xf32, #tpu.memory_space<vmem>>, vector<16xf32>,
      %add3A_951 = arith.addf %add3A_911, %get3A_950 : vector<16xf32>
      %get3A_952 = arith.constant 23 : i32
      %get3A_953 = arith.index_cast %get3A_952 : i32 to index
      %get3A_954 = arith.constant 16 : index
      %get3A_955 = tpu.vector_load %arg8[%get3A_953, %get3A_954] {strides = array<i32>} : memref<32x64xf32, #tpu.memory_space<vmem>>, vector<16xf32>,
      %add3A_956 = arith.addf %add3A_916, %get3A_955 : vector<16xf32>
      %get3A_957 = arith.constant 23 : i32
      %get3A_958 = arith.index_cast %get3A_957 : i32 to index
      %get3A_959 = arith.constant 32 : index
      %get3A_960 = tpu.vector_load %arg7[%get3A_958, %get3A_959] {strides = array<i32>} : memref<32x64xf32, #tpu.memory_space<vmem>>, vector<16xf32>,
      %add3A_961 = arith.addf %add3A_921, %get3A_960 : vector<16xf32>
      %get3A_962 = arith.constant 23 : i32
      %get3A_963 = arith.index_cast %get3A_962 : i32 to index
      %get3A_964 = arith.constant 32 : index
      %get3A_965 = tpu.vector_load %arg8[%get3A_963, %get3A_964] {strides = array<i32>} : memref<32x64xf32, #tpu.memory_space<vmem>>, vector<16xf32>,
      %add3A_966 = arith.addf %add3A_926, %get3A_965 : vector<16xf32>
      %get3A_967 = arith.constant 23 : i32
      %get3A_968 = arith.index_cast %get3A_967 : i32 to index
      %get3A_969 = arith.constant 48 : index
      %get3A_970 = tpu.vector_load %arg7[%get3A_968, %get3A_969] {strides = array<i32>} : memref<32x64xf32, #tpu.memory_space<vmem>>, vector<16xf32>,
      %add3A_971 = arith.addf %add3A_931, %get3A_970 : vector<16xf32>
      %get3A_972 = arith.constant 23 : i32
      %get3A_973 = arith.index_cast %get3A_972 : i32 to index
      %get3A_974 = arith.constant 48 : index
      %get3A_975 = tpu.vector_load %arg8[%get3A_973, %get3A_974] {strides = array<i32>} : memref<32x64xf32, #tpu.memory_space<vmem>>, vector<16xf32>,
      %add3A_976 = arith.addf %add3A_936, %get3A_975 : vector<16xf32>
      %get3A_977 = arith.constant 24 : i32
      %get3A_978 = arith.index_cast %get3A_977 : i32 to index
      %get3A_979 = arith.constant 0 : index
      %get3A_980 = tpu.vector_load %arg7[%get3A_978, %get3A_979] {strides = array<i32>} : memref<32x64xf32, #tpu.memory_space<vmem>>, vector<16xf32>,
      %add3A_981 = arith.addf %add3A_941, %get3A_980 : vector<16xf32>
      %get3A_982 = arith.constant 24 : i32
      %get3A_983 = arith.index_cast %get3A_982 : i32 to index
      %get3A_984 = arith.constant 0 : index
      %get3A_985 = tpu.vector_load %arg8[%get3A_983, %get3A_984] {strides = array<i32>} : memref<32x64xf32, #tpu.memory_space<vmem>>, vector<16xf32>,
      %add3A_986 = arith.addf %add3A_946, %get3A_985 : vector<16xf32>
      %get3A_987 = arith.constant 24 : i32
      %get3A_988 = arith.index_cast %get3A_987 : i32 to index
      %get3A_989 = arith.constant 16 : index
      %get3A_990 = tpu.vector_load %arg7[%get3A_988, %get3A_989] {strides = array<i32>} : memref<32x64xf32, #tpu.memory_space<vmem>>, vector<16xf32>,
      %add3A_991 = arith.addf %add3A_951, %get3A_990 : vector<16xf32>
      %get3A_992 = arith.constant 24 : i32
      %get3A_993 = arith.index_cast %get3A_992 : i32 to index
      %get3A_994 = arith.constant 16 : index
      %get3A_995 = tpu.vector_load %arg8[%get3A_993, %get3A_994] {strides = array<i32>} : memref<32x64xf32, #tpu.memory_space<vmem>>, vector<16xf32>,
      %add3A_996 = arith.addf %add3A_956, %get3A_995 : vector<16xf32>
      %get3A_997 = arith.constant 24 : i32
      %get3A_998 = arith.index_cast %get3A_997 : i32 to index
      %get3A_999 = arith.constant 32 : index
      %get3A_1000 = tpu.vector_load %arg7[%get3A_998, %get3A_999] {strides = array<i32>} : memref<32x64xf32, #tpu.memory_space<vmem>>, vector<16xf32>,
      %add3A_1001 = arith.addf %add3A_961, %get3A_1000 : vector<16xf32>
      %get3A_1002 = arith.constant 24 : i32
      %get3A_1003 = arith.index_cast %get3A_1002 : i32 to index
      %get3A_1004 = arith.constant 32 : index
      %get3A_1005 = tpu.vector_load %arg8[%get3A_1003, %get3A_1004] {strides = array<i32>} : memref<32x64xf32, #tpu.memory_space<vmem>>, vector<16xf32>,
      %add3A_1006 = arith.addf %add3A_966, %get3A_1005 : vector<16xf32>
      %get3A_1007 = arith.constant 24 : i32
      %get3A_1008 = arith.index_cast %get3A_1007 : i32 to index
      %get3A_1009 = arith.constant 48 : index
      %get3A_1010 = tpu.vector_load %arg7[%get3A_1008, %get3A_1009] {strides = array<i32>} : memref<32x64xf32, #tpu.memory_space<vmem>>, vector<16xf32>,
      %add3A_1011 = arith.addf %add3A_971, %get3A_1010 : vector<16xf32>
      %get3A_1012 = arith.constant 24 : i32
      %get3A_1013 = arith.index_cast %get3A_1012 : i32 to index
      %get3A_1014 = arith.constant 48 : index
      %get3A_1015 = tpu.vector_load %arg8[%get3A_1013, %get3A_1014] {strides = array<i32>} : memref<32x64xf32, #tpu.memory_space<vmem>>, vector<16xf32>,
      %add3A_1016 = arith.addf %add3A_976, %get3A_1015 : vector<16xf32>
      %get3A_1017 = arith.constant 25 : i32
      %get3A_1018 = arith.index_cast %get3A_1017 : i32 to index
      %get3A_1019 = arith.constant 0 : index
      %get3A_1020 = tpu.vector_load %arg7[%get3A_1018, %get3A_1019] {strides = array<i32>} : memref<32x64xf32, #tpu.memory_space<vmem>>, vector<16xf32>,
      %add3A_1021 = arith.addf %add3A_981, %get3A_1020 : vector<16xf32>
      %get3A_1022 = arith.constant 25 : i32
      %get3A_1023 = arith.index_cast %get3A_1022 : i32 to index
      %get3A_1024 = arith.constant 0 : index
      %get3A_1025 = tpu.vector_load %arg8[%get3A_1023, %get3A_1024] {strides = array<i32>} : memref<32x64xf32, #tpu.memory_space<vmem>>, vector<16xf32>,
      %add3A_1026 = arith.addf %add3A_986, %get3A_1025 : vector<16xf32>
      %get3A_1027 = arith.constant 25 : i32
      %get3A_1028 = arith.index_cast %get3A_1027 : i32 to index
      %get3A_1029 = arith.constant 16 : index
      %get3A_1030 = tpu.vector_load %arg7[%get3A_1028, %get3A_1029] {strides = array<i32>} : memref<32x64xf32, #tpu.memory_space<vmem>>, vector<16xf32>,
      %add3A_1031 = arith.addf %add3A_991, %get3A_1030 : vector<16xf32>
      %get3A_1032 = arith.constant 25 : i32
      %get3A_1033 = arith.index_cast %get3A_1032 : i32 to index
      %get3A_1034 = arith.constant 16 : index
      %get3A_1035 = tpu.vector_load %arg8[%get3A_1033, %get3A_1034] {strides = array<i32>} : memref<32x64xf32, #tpu.memory_space<vmem>>, vector<16xf32>,
      %add3A_1036 = arith.addf %add3A_996, %get3A_1035 : vector<16xf32>
      %get3A_1037 = arith.constant 25 : i32
      %get3A_1038 = arith.index_cast %get3A_1037 : i32 to index
      %get3A_1039 = arith.constant 32 : index
      %get3A_1040 = tpu.vector_load %arg7[%get3A_1038, %get3A_1039] {strides = array<i32>} : memref<32x64xf32, #tpu.memory_space<vmem>>, vector<16xf32>,
      %add3A_1041 = arith.addf %add3A_1001, %get3A_1040 : vector<16xf32>
      %get3A_1042 = arith.constant 25 : i32
      %get3A_1043 = arith.index_cast %get3A_1042 : i32 to index
      %get3A_1044 = arith.constant 32 : index
      %get3A_1045 = tpu.vector_load %arg8[%get3A_1043, %get3A_1044] {strides = array<i32>} : memref<32x64xf32, #tpu.memory_space<vmem>>, vector<16xf32>,
      %add3A_1046 = arith.addf %add3A_1006, %get3A_1045 : vector<16xf32>
      %get3A_1047 = arith.constant 25 : i32
      %get3A_1048 = arith.index_cast %get3A_1047 : i32 to index
      %get3A_1049 = arith.constant 48 : index
      %get3A_1050 = tpu.vector_load %arg7[%get3A_1048, %get3A_1049] {strides = array<i32>} : memref<32x64xf32, #tpu.memory_space<vmem>>, vector<16xf32>,
      %add3A_1051 = arith.addf %add3A_1011, %get3A_1050 : vector<16xf32>
      %get3A_1052 = arith.constant 25 : i32
      %get3A_1053 = arith.index_cast %get3A_1052 : i32 to index
      %get3A_1054 = arith.constant 48 : index
      %get3A_1055 = tpu.vector_load %arg8[%get3A_1053, %get3A_1054] {strides = array<i32>} : memref<32x64xf32, #tpu.memory_space<vmem>>, vector<16xf32>,
      %add3A_1056 = arith.addf %add3A_1016, %get3A_1055 : vector<16xf32>
      %get3A_1057 = arith.constant 26 : i32
      %get3A_1058 = arith.index_cast %get3A_1057 : i32 to index
      %get3A_1059 = arith.constant 0 : index
      %get3A_1060 = tpu.vector_load %arg7[%get3A_1058, %get3A_1059] {strides = array<i32>} : memref<32x64xf32, #tpu.memory_space<vmem>>, vector<16xf32>,
      %add3A_1061 = arith.addf %add3A_1021, %get3A_1060 : vector<16xf32>
      %get3A_1062 = arith.constant 26 : i32
      %get3A_1063 = arith.index_cast %get3A_1062 : i32 to index
      %get3A_1064 = arith.constant 0 : index
      %get3A_1065 = tpu.vector_load %arg8[%get3A_1063, %get3A_1064] {strides = array<i32>} : memref<32x64xf32, #tpu.memory_space<vmem>>, vector<16xf32>,
      %add3A_1066 = arith.addf %add3A_1026, %get3A_1065 : vector<16xf32>
      %get3A_1067 = arith.constant 26 : i32
      %get3A_1068 = arith.index_cast %get3A_1067 : i32 to index
      %get3A_1069 = arith.constant 16 : index
      %get3A_1070 = tpu.vector_load %arg7[%get3A_1068, %get3A_1069] {strides = array<i32>} : memref<32x64xf32, #tpu.memory_space<vmem>>, vector<16xf32>,
      %add3A_1071 = arith.addf %add3A_1031, %get3A_1070 : vector<16xf32>
      %get3A_1072 = arith.constant 26 : i32
      %get3A_1073 = arith.index_cast %get3A_1072 : i32 to index
      %get3A_1074 = arith.constant 16 : index
      %get3A_1075 = tpu.vector_load %arg8[%get3A_1073, %get3A_1074] {strides = array<i32>} : memref<32x64xf32, #tpu.memory_space<vmem>>, vector<16xf32>,
      %add3A_1076 = arith.addf %add3A_1036, %get3A_1075 : vector<16xf32>
      %get3A_1077 = arith.constant 26 : i32
      %get3A_1078 = arith.index_cast %get3A_1077 : i32 to index
      %get3A_1079 = arith.constant 32 : index
      %get3A_1080 = tpu.vector_load %arg7[%get3A_1078, %get3A_1079] {strides = array<i32>} : memref<32x64xf32, #tpu.memory_space<vmem>>, vector<16xf32>,
      %add3A_1081 = arith.addf %add3A_1041, %get3A_1080 : vector<16xf32>
      %get3A_1082 = arith.constant 26 : i32
      %get3A_1083 = arith.index_cast %get3A_1082 : i32 to index
      %get3A_1084 = arith.constant 32 : index
      %get3A_1085 = tpu.vector_load %arg8[%get3A_1083, %get3A_1084] {strides = array<i32>} : memref<32x64xf32, #tpu.memory_space<vmem>>, vector<16xf32>,
      %add3A_1086 = arith.addf %add3A_1046, %get3A_1085 : vector<16xf32>
      %get3A_1087 = arith.constant 26 : i32
      %get3A_1088 = arith.index_cast %get3A_1087 : i32 to index
      %get3A_1089 = arith.constant 48 : index
      %get3A_1090 = tpu.vector_load %arg7[%get3A_1088, %get3A_1089] {strides = array<i32>} : memref<32x64xf32, #tpu.memory_space<vmem>>, vector<16xf32>,
      %add3A_1091 = arith.addf %add3A_1051, %get3A_1090 : vector<16xf32>
      %get3A_1092 = arith.constant 26 : i32
      %get3A_1093 = arith.index_cast %get3A_1092 : i32 to index
      %get3A_1094 = arith.constant 48 : index
      %get3A_1095 = tpu.vector_load %arg8[%get3A_1093, %get3A_1094] {strides = array<i32>} : memref<32x64xf32, #tpu.memory_space<vmem>>, vector<16xf32>,
      %add3A_1096 = arith.addf %add3A_1056, %get3A_1095 : vector<16xf32>
      %get3A_1097 = arith.constant 27 : i32
      %get3A_1098 = arith.index_cast %get3A_1097 : i32 to index
      %get3A_1099 = arith.constant 0 : index
      %get3A_1100 = tpu.vector_load %arg7[%get3A_1098, %get3A_1099] {strides = array<i32>} : memref<32x64xf32, #tpu.memory_space<vmem>>, vector<16xf32>,
      %add3A_1101 = arith.addf %add3A_1061, %get3A_1100 : vector<16xf32>
      %get3A_1102 = arith.constant 27 : i32
      %get3A_1103 = arith.index_cast %get3A_1102 : i32 to index
      %get3A_1104 = arith.constant 0 : index
      %get3A_1105 = tpu.vector_load %arg8[%get3A_1103, %get3A_1104] {strides = array<i32>} : memref<32x64xf32, #tpu.memory_space<vmem>>, vector<16xf32>,
      %add3A_1106 = arith.addf %add3A_1066, %get3A_1105 : vector<16xf32>
      %get3A_1107 = arith.constant 27 : i32
      %get3A_1108 = arith.index_cast %get3A_1107 : i32 to index
      %get3A_1109 = arith.constant 16 : index
      %get3A_1110 = tpu.vector_load %arg7[%get3A_1108, %get3A_1109] {strides = array<i32>} : memref<32x64xf32, #tpu.memory_space<vmem>>, vector<16xf32>,
      %add3A_1111 = arith.addf %add3A_1071, %get3A_1110 : vector<16xf32>
      %get3A_1112 = arith.constant 27 : i32
      %get3A_1113 = arith.index_cast %get3A_1112 : i32 to index
      %get3A_1114 = arith.constant 16 : index
      %get3A_1115 = tpu.vector_load %arg8[%get3A_1113, %get3A_1114] {strides = array<i32>} : memref<32x64xf32, #tpu.memory_space<vmem>>, vector<16xf32>,
      %add3A_1116 = arith.addf %add3A_1076, %get3A_1115 : vector<16xf32>
      %get3A_1117 = arith.constant 27 : i32
      %get3A_1118 = arith.index_cast %get3A_1117 : i32 to index
      %get3A_1119 = arith.constant 32 : index
      %get3A_1120 = tpu.vector_load %arg7[%get3A_1118, %get3A_1119] {strides = array<i32>} : memref<32x64xf32, #tpu.memory_space<vmem>>, vector<16xf32>,
      %add3A_1121 = arith.addf %add3A_1081, %get3A_1120 : vector<16xf32>
      %get3A_1122 = arith.constant 27 : i32
      %get3A_1123 = arith.index_cast %get3A_1122 : i32 to index
      %get3A_1124 = arith.constant 32 : index
      %get3A_1125 = tpu.vector_load %arg8[%get3A_1123, %get3A_1124] {strides = array<i32>} : memref<32x64xf32, #tpu.memory_space<vmem>>, vector<16xf32>,
      %add3A_1126 = arith.addf %add3A_1086, %get3A_1125 : vector<16xf32>
      %get3A_1127 = arith.constant 27 : i32
      %get3A_1128 = arith.index_cast %get3A_1127 : i32 to index
      %get3A_1129 = arith.constant 48 : index
      %get3A_1130 = tpu.vector_load %arg7[%get3A_1128, %get3A_1129] {strides = array<i32>} : memref<32x64xf32, #tpu.memory_space<vmem>>, vector<16xf32>,
      %add3A_1131 = arith.addf %add3A_1091, %get3A_1130 : vector<16xf32>
      %get3A_1132 = arith.constant 27 : i32
      %get3A_1133 = arith.index_cast %get3A_1132 : i32 to index
      %get3A_1134 = arith.constant 48 : index
      %get3A_1135 = tpu.vector_load %arg8[%get3A_1133, %get3A_1134] {strides = array<i32>} : memref<32x64xf32, #tpu.memory_space<vmem>>, vector<16xf32>,
      %add3A_1136 = arith.addf %add3A_1096, %get3A_1135 : vector<16xf32>
      %get3A_1137 = arith.constant 28 : i32
      %get3A_1138 = arith.index_cast %get3A_1137 : i32 to index
      %get3A_1139 = arith.constant 0 : index
      %get3A_1140 = tpu.vector_load %arg7[%get3A_1138, %get3A_1139] {strides = array<i32>} : memref<32x64xf32, #tpu.memory_space<vmem>>, vector<16xf32>,
      %add3A_1141 = arith.addf %add3A_1101, %get3A_1140 : vector<16xf32>
      %get3A_1142 = arith.constant 28 : i32
      %get3A_1143 = arith.index_cast %get3A_1142 : i32 to index
      %get3A_1144 = arith.constant 0 : index
      %get3A_1145 = tpu.vector_load %arg8[%get3A_1143, %get3A_1144] {strides = array<i32>} : memref<32x64xf32, #tpu.memory_space<vmem>>, vector<16xf32>,
      %add3A_1146 = arith.addf %add3A_1106, %get3A_1145 : vector<16xf32>
      %get3A_1147 = arith.constant 28 : i32
      %get3A_1148 = arith.index_cast %get3A_1147 : i32 to index
      %get3A_1149 = arith.constant 16 : index
      %get3A_1150 = tpu.vector_load %arg7[%get3A_1148, %get3A_1149] {strides = array<i32>} : memref<32x64xf32, #tpu.memory_space<vmem>>, vector<16xf32>,
      %add3A_1151 = arith.addf %add3A_1111, %get3A_1150 : vector<16xf32>
      %get3A_1152 = arith.constant 28 : i32
      %get3A_1153 = arith.index_cast %get3A_1152 : i32 to index
      %get3A_1154 = arith.constant 16 : index
      %get3A_1155 = tpu.vector_load %arg8[%get3A_1153, %get3A_1154] {strides = array<i32>} : memref<32x64xf32, #tpu.memory_space<vmem>>, vector<16xf32>,
      %add3A_1156 = arith.addf %add3A_1116, %get3A_1155 : vector<16xf32>
      %get3A_1157 = arith.constant 28 : i32
      %get3A_1158 = arith.index_cast %get3A_1157 : i32 to index
      %get3A_1159 = arith.constant 32 : index
      %get3A_1160 = tpu.vector_load %arg7[%get3A_1158, %get3A_1159] {strides = array<i32>} : memref<32x64xf32, #tpu.memory_space<vmem>>, vector<16xf32>,
      %add3A_1161 = arith.addf %add3A_1121, %get3A_1160 : vector<16xf32>
      %get3A_1162 = arith.constant 28 : i32
      %get3A_1163 = arith.index_cast %get3A_1162 : i32 to index
      %get3A_1164 = arith.constant 32 : index
      %get3A_1165 = tpu.vector_load %arg8[%get3A_1163, %get3A_1164] {strides = array<i32>} : memref<32x64xf32, #tpu.memory_space<vmem>>, vector<16xf32>,
      %add3A_1166 = arith.addf %add3A_1126, %get3A_1165 : vector<16xf32>
      %get3A_1167 = arith.constant 28 : i32
      %get3A_1168 = arith.index_cast %get3A_1167 : i32 to index
      %get3A_1169 = arith.constant 48 : index
      %get3A_1170 = tpu.vector_load %arg7[%get3A_1168, %get3A_1169] {strides = array<i32>} : memref<32x64xf32, #tpu.memory_space<vmem>>, vector<16xf32>,
      %add3A_1171 = arith.addf %add3A_1131, %get3A_1170 : vector<16xf32>
      %get3A_1172 = arith.constant 28 : i32
      %get3A_1173 = arith.index_cast %get3A_1172 : i32 to index
      %get3A_1174 = arith.constant 48 : index
      %get3A_1175 = tpu.vector_load %arg8[%get3A_1173, %get3A_1174] {strides = array<i32>} : memref<32x64xf32, #tpu.memory_space<vmem>>, vector<16xf32>,
      %add3A_1176 = arith.addf %add3A_1136, %get3A_1175 : vector<16xf32>
      %get3A_1177 = arith.constant 29 : i32
      %get3A_1178 = arith.index_cast %get3A_1177 : i32 to index
      %get3A_1179 = arith.constant 0 : index
      %get3A_1180 = tpu.vector_load %arg7[%get3A_1178, %get3A_1179] {strides = array<i32>} : memref<32x64xf32, #tpu.memory_space<vmem>>, vector<16xf32>,
      %add3A_1181 = arith.addf %add3A_1141, %get3A_1180 : vector<16xf32>
      %get3A_1182 = arith.constant 29 : i32
      %get3A_1183 = arith.index_cast %get3A_1182 : i32 to index
      %get3A_1184 = arith.constant 0 : index
      %get3A_1185 = tpu.vector_load %arg8[%get3A_1183, %get3A_1184] {strides = array<i32>} : memref<32x64xf32, #tpu.memory_space<vmem>>, vector<16xf32>,
      %add3A_1186 = arith.addf %add3A_1146, %get3A_1185 : vector<16xf32>
      %get3A_1187 = arith.constant 29 : i32
      %get3A_1188 = arith.index_cast %get3A_1187 : i32 to index
      %get3A_1189 = arith.constant 16 : index
      %get3A_1190 = tpu.vector_load %arg7[%get3A_1188, %get3A_1189] {strides = array<i32>} : memref<32x64xf32, #tpu.memory_space<vmem>>, vector<16xf32>,
      %add3A_1191 = arith.addf %add3A_1151, %get3A_1190 : vector<16xf32>
      %get3A_1192 = arith.constant 29 : i32
      %get3A_1193 = arith.index_cast %get3A_1192 : i32 to index
      %get3A_1194 = arith.constant 16 : index
      %get3A_1195 = tpu.vector_load %arg8[%get3A_1193, %get3A_1194] {strides = array<i32>} : memref<32x64xf32, #tpu.memory_space<vmem>>, vector<16xf32>,
      %add3A_1196 = arith.addf %add3A_1156, %get3A_1195 : vector<16xf32>
      %get3A_1197 = arith.constant 29 : i32
      %get3A_1198 = arith.index_cast %get3A_1197 : i32 to index
      %get3A_1199 = arith.constant 32 : index
      %get3A_1200 = tpu.vector_load %arg7[%get3A_1198, %get3A_1199] {strides = array<i32>} : memref<32x64xf32, #tpu.memory_space<vmem>>, vector<16xf32>,
      %add3A_1201 = arith.addf %add3A_1161, %get3A_1200 : vector<16xf32>
      %get3A_1202 = arith.constant 29 : i32
      %get3A_1203 = arith.index_cast %get3A_1202 : i32 to index
      %get3A_1204 = arith.constant 32 : index
      %get3A_1205 = tpu.vector_load %arg8[%get3A_1203, %get3A_1204] {strides = array<i32>} : memref<32x64xf32, #tpu.memory_space<vmem>>, vector<16xf32>,
      %add3A_1206 = arith.addf %add3A_1166, %get3A_1205 : vector<16xf32>
      %get3A_1207 = arith.constant 29 : i32
      %get3A_1208 = arith.index_cast %get3A_1207 : i32 to index
      %get3A_1209 = arith.constant 48 : index
      %get3A_1210 = tpu.vector_load %arg7[%get3A_1208, %get3A_1209] {strides = array<i32>} : memref<32x64xf32, #tpu.memory_space<vmem>>, vector<16xf32>,
      %add3A_1211 = arith.addf %add3A_1171, %get3A_1210 : vector<16xf32>
      %get3A_1212 = arith.constant 29 : i32
      %get3A_1213 = arith.index_cast %get3A_1212 : i32 to index
      %get3A_1214 = arith.constant 48 : index
      %get3A_1215 = tpu.vector_load %arg8[%get3A_1213, %get3A_1214] {strides = array<i32>} : memref<32x64xf32, #tpu.memory_space<vmem>>, vector<16xf32>,
      %add3A_1216 = arith.addf %add3A_1176, %get3A_1215 : vector<16xf32>
      %get3A_1217 = arith.constant 30 : i32
      %get3A_1218 = arith.index_cast %get3A_1217 : i32 to index
      %get3A_1219 = arith.constant 0 : index
      %get3A_1220 = tpu.vector_load %arg7[%get3A_1218, %get3A_1219] {strides = array<i32>} : memref<32x64xf32, #tpu.memory_space<vmem>>, vector<16xf32>,
      %add3A_1221 = arith.addf %add3A_1181, %get3A_1220 : vector<16xf32>
      %get3A_1222 = arith.constant 30 : i32
      %get3A_1223 = arith.index_cast %get3A_1222 : i32 to index
      %get3A_1224 = arith.constant 0 : index
      %get3A_1225 = tpu.vector_load %arg8[%get3A_1223, %get3A_1224] {strides = array<i32>} : memref<32x64xf32, #tpu.memory_space<vmem>>, vector<16xf32>,
      %add3A_1226 = arith.addf %add3A_1186, %get3A_1225 : vector<16xf32>
      %get3A_1227 = arith.constant 30 : i32
      %get3A_1228 = arith.index_cast %get3A_1227 : i32 to index
      %get3A_1229 = arith.constant 16 : index
      %get3A_1230 = tpu.vector_load %arg7[%get3A_1228, %get3A_1229] {strides = array<i32>} : memref<32x64xf32, #tpu.memory_space<vmem>>, vector<16xf32>,
      %add3A_1231 = arith.addf %add3A_1191, %get3A_1230 : vector<16xf32>
      %get3A_1232 = arith.constant 30 : i32
      %get3A_1233 = arith.index_cast %get3A_1232 : i32 to index
      %get3A_1234 = arith.constant 16 : index
      %get3A_1235 = tpu.vector_load %arg8[%get3A_1233, %get3A_1234] {strides = array<i32>} : memref<32x64xf32, #tpu.memory_space<vmem>>, vector<16xf32>,
      %add3A_1236 = arith.addf %add3A_1196, %get3A_1235 : vector<16xf32>
      %get3A_1237 = arith.constant 30 : i32
      %get3A_1238 = arith.index_cast %get3A_1237 : i32 to index
      %get3A_1239 = arith.constant 32 : index
      %get3A_1240 = tpu.vector_load %arg7[%get3A_1238, %get3A_1239] {strides = array<i32>} : memref<32x64xf32, #tpu.memory_space<vmem>>, vector<16xf32>,
      %add3A_1241 = arith.addf %add3A_1201, %get3A_1240 : vector<16xf32>
      %get3A_1242 = arith.constant 30 : i32
      %get3A_1243 = arith.index_cast %get3A_1242 : i32 to index
      %get3A_1244 = arith.constant 32 : index
      %get3A_1245 = tpu.vector_load %arg8[%get3A_1243, %get3A_1244] {strides = array<i32>} : memref<32x64xf32, #tpu.memory_space<vmem>>, vector<16xf32>,
      %add3A_1246 = arith.addf %add3A_1206, %get3A_1245 : vector<16xf32>
      %get3A_1247 = arith.constant 30 : i32
      %get3A_1248 = arith.index_cast %get3A_1247 : i32 to index
      %get3A_1249 = arith.constant 48 : index
      %get3A_1250 = tpu.vector_load %arg7[%get3A_1248, %get3A_1249] {strides = array<i32>} : memref<32x64xf32, #tpu.memory_space<vmem>>, vector<16xf32>,
      %add3A_1251 = arith.addf %add3A_1211, %get3A_1250 : vector<16xf32>
      %get3A_1252 = arith.constant 30 : i32
      %get3A_1253 = arith.index_cast %get3A_1252 : i32 to index
      %get3A_1254 = arith.constant 48 : index
      %get3A_1255 = tpu.vector_load %arg8[%get3A_1253, %get3A_1254] {strides = array<i32>} : memref<32x64xf32, #tpu.memory_space<vmem>>, vector<16xf32>,
      %add3A_1256 = arith.addf %add3A_1216, %get3A_1255 : vector<16xf32>
      %get3A_1257 = arith.constant 31 : i32
      %get3A_1258 = arith.index_cast %get3A_1257 : i32 to index
      %get3A_1259 = arith.constant 0 : index
      %get3A_1260 = tpu.vector_load %arg7[%get3A_1258, %get3A_1259] {strides = array<i32>} : memref<32x64xf32, #tpu.memory_space<vmem>>, vector<16xf32>,
      %add3A_1261 = arith.addf %add3A_1221, %get3A_1260 : vector<16xf32>
      %get3A_1262 = arith.constant 31 : i32
      %get3A_1263 = arith.index_cast %get3A_1262 : i32 to index
      %get3A_1264 = arith.constant 0 : index
      %get3A_1265 = tpu.vector_load %arg8[%get3A_1263, %get3A_1264] {strides = array<i32>} : memref<32x64xf32, #tpu.memory_space<vmem>>, vector<16xf32>,
      %add3A_1266 = arith.addf %add3A_1226, %get3A_1265 : vector<16xf32>
      %get3A_1267 = arith.constant 31 : i32
      %get3A_1268 = arith.index_cast %get3A_1267 : i32 to index
      %get3A_1269 = arith.constant 16 : index
      %get3A_1270 = tpu.vector_load %arg7[%get3A_1268, %get3A_1269] {strides = array<i32>} : memref<32x64xf32, #tpu.memory_space<vmem>>, vector<16xf32>,
      %add3A_1271 = arith.addf %add3A_1231, %get3A_1270 : vector<16xf32>
      %get3A_1272 = arith.constant 31 : i32
      %get3A_1273 = arith.index_cast %get3A_1272 : i32 to index
      %get3A_1274 = arith.constant 16 : index
      %get3A_1275 = tpu.vector_load %arg8[%get3A_1273, %get3A_1274] {strides = array<i32>} : memref<32x64xf32, #tpu.memory_space<vmem>>, vector<16xf32>,
      %add3A_1276 = arith.addf %add3A_1236, %get3A_1275 : vector<16xf32>
      %get3A_1277 = arith.constant 31 : i32
      %get3A_1278 = arith.index_cast %get3A_1277 : i32 to index
      %get3A_1279 = arith.constant 32 : index
      %get3A_1280 = tpu.vector_load %arg7[%get3A_1278, %get3A_1279] {strides = array<i32>} : memref<32x64xf32, #tpu.memory_space<vmem>>, vector<16xf32>,
      %add3A_1281 = arith.addf %add3A_1241, %get3A_1280 : vector<16xf32>
      %get3A_1282 = arith.constant 31 : i32
      %get3A_1283 = arith.index_cast %get3A_1282 : i32 to index
      %get3A_1284 = arith.constant 32 : index
      %get3A_1285 = tpu.vector_load %arg8[%get3A_1283, %get3A_1284] {strides = array<i32>} : memref<32x64xf32, #tpu.memory_space<vmem>>, vector<16xf32>,
      %add3A_1286 = arith.addf %add3A_1246, %get3A_1285 : vector<16xf32>
      %get3A_1287 = arith.constant 31 : i32
      %get3A_1288 = arith.index_cast %get3A_1287 : i32 to index
      %get3A_1289 = arith.constant 48 : index
      %get3A_1290 = tpu.vector_load %arg7[%get3A_1288, %get3A_1289] {strides = array<i32>} : memref<32x64xf32, #tpu.memory_space<vmem>>, vector<16xf32>,
      %add3A_1291 = arith.addf %add3A_1251, %get3A_1290 : vector<16xf32>
      %get3A_1292 = arith.constant 31 : i32
      %get3A_1293 = arith.index_cast %get3A_1292 : i32 to index
      %get3A_1294 = arith.constant 48 : index
      %get3A_1295 = tpu.vector_load %arg8[%get3A_1293, %get3A_1294] {strides = array<i32>} : memref<32x64xf32, #tpu.memory_space<vmem>>, vector<16xf32>,
      %add3A_1296 = arith.addf %add3A_1256, %get3A_1295 : vector<16xf32>
      %mul3A = arith.mulf %add3A_1261, %add3A_1266 : vector<16xf32>
      %reduce_sum3A = arith.constant true
      %reduce_sum3A_1297 = vector.broadcast %reduce_sum3A : i1 to vector<16xi1>
      %reduce_sum3A_1298 = tpu.scan <sum>, %mul3A masked %reduce_sum3A_1297 : vector<16xf32>, vector<16xi1> -> vector<16xf32>
      %reduce_sum3A_1299 = vector.extract %reduce_sum3A_1298[15] : f32 from vector<16xf32>
      %add3A_1300 = arith.constant 0.000000e+00 : f32
      %add3A_1301 = arith.addf %add3A_1300, %reduce_sum3A_1299 : f32
      %mul3A_1302 = arith.mulf %add3A_1271, %add3A_1276 : vector<16xf32>
      %reduce_sum3A_1303 = arith.constant true
      %reduce_sum3A_1304 = vector.broadcast %reduce_sum3A_1303 : i1 to vector<16xi1>
      %reduce_sum3A_1305 = tpu.scan <sum>, %mul3A_1302 masked %reduce_sum3A_1304 : vector<16xf32>, vector<16xi1> -> vector<16xf32>
      %reduce_sum3A_1306 = vector.extract %reduce_sum3A_1305[15] : f32 from vector<16xf32>
      %add3A_1307 = arith.addf %add3A_1301, %reduce_sum3A_1306 : f32
      %mul3A_1308 = arith.mulf %add3A_1281, %add3A_1286 : vector<16xf32>
      %reduce_sum3A_1309 = arith.constant true
      %reduce_sum3A_1310 = vector.broadcast %reduce_sum3A_1309 : i1 to vector<16xi1>
      %reduce_sum3A_1311 = tpu.scan <sum>, %mul3A_1308 masked %reduce_sum3A_1310 : vector<16xf32>, vector<16xi1> -> vector<16xf32>
      %reduce_sum3A_1312 = vector.extract %reduce_sum3A_1311[15] : f32 from vector<16xf32>
      %add3A_1313 = arith.addf %add3A_1307, %reduce_sum3A_1312 : f32
      %mul3A_1314 = arith.mulf %add3A_1291, %add3A_1296 : vector<16xf32>
      %reduce_sum3A_1315 = arith.constant true
      %reduce_sum3A_1316 = vector.broadcast %reduce_sum3A_1315 : i1 to vector<16xi1>
      %reduce_sum3A_1317 = tpu.scan <sum>, %mul3A_1314 masked %reduce_sum3A_1316 : vector<16xf32>, vector<16xi1> -> vector<16xf32>
      %reduce_sum3A_1318 = vector.extract %reduce_sum3A_1317[15] : f32 from vector<16xf32>
      %add3A_1319 = arith.addf %add3A_1313, %reduce_sum3A_1318 : f32
      %mul3A_1320 = arith.constant 6.250000e-05 : f32
      %mul3A_1321 = arith.mulf %add3A_1319, %mul3A_1320 : f32
      %broadcast_in_dim3A_1322 = vector.broadcast %mul3A_1321 : f32 to vector<16xf32>
      %swap3A = arith.constant 0 : index
      %swap3A_1323 = tpu.vector_load %arg11[%swap3A] {strides = array<i32>} : memref<16xf32, #tpu.memory_space<vmem>>, vector<16xf32>,
      tpu.vector_store %arg11[%swap3A], %broadcast_in_dim3A_1322 {strides = array<i32>} : memref<16xf32, #tpu.memory_space<vmem>>, vector<16xf32>,
      %broadcast_in_dim3A_1324 = arith.constant 0 : i32
      %broadcast_in_dim3A_1325 = vector.broadcast %broadcast_in_dim3A_1324 : i32 to vector<16xi32>
      %swap3A_1326 = arith.constant 0 : index
      %swap3A_1327 = tpu.vector_load %arg9[%swap3A_1326] {strides = array<i32>} : memref<64xi32, #tpu.memory_space<vmem>>, vector<16xi32>,
      tpu.vector_store %arg9[%swap3A_1326], %broadcast_in_dim3A_1325 {strides = array<i32>} : memref<64xi32, #tpu.memory_space<vmem>>, vector<16xi32>,
      %broadcast_in_dim3A_1328 = arith.constant 0 : i32
      %broadcast_in_dim3A_1329 = vector.broadcast %broadcast_in_dim3A_1328 : i32 to vector<16xi32>
      %swap3A_1330 = arith.constant 16 : index
      %swap3A_1331 = tpu.vector_load %arg9[%swap3A_1330] {strides = array<i32>} : memref<64xi32, #tpu.memory_space<vmem>>, vector<16xi32>,
      tpu.vector_store %arg9[%swap3A_1330], %broadcast_in_dim3A_1329 {strides = array<i32>} : memref<64xi32, #tpu.memory_space<vmem>>, vector<16xi32>,
      %broadcast_in_dim3A_1332 = arith.constant 0 : i32
      %broadcast_in_dim3A_1333 = vector.broadcast %broadcast_in_dim3A_1332 : i32 to vector<16xi32>
      %swap3A_1334 = arith.constant 32 : index
      %swap3A_1335 = tpu.vector_load %arg9[%swap3A_1334] {strides = array<i32>} : memref<64xi32, #tpu.memory_space<vmem>>, vector<16xi32>,
      tpu.vector_store %arg9[%swap3A_1334], %broadcast_in_dim3A_1333 {strides = array<i32>} : memref<64xi32, #tpu.memory_space<vmem>>, vector<16xi32>,
      %broadcast_in_dim3A_1336 = arith.constant 0 : i32
      %broadcast_in_dim3A_1337 = vector.broadcast %broadcast_in_dim3A_1336 : i32 to vector<16xi32>
      %swap3A_1338 = arith.constant 48 : index
      %swap3A_1339 = tpu.vector_load %arg9[%swap3A_1338] {strides = array<i32>} : memref<64xi32, #tpu.memory_space<vmem>>, vector<16xi32>,
      tpu.vector_store %arg9[%swap3A_1338], %broadcast_in_dim3A_1337 {strides = array<i32>} : memref<64xi32, #tpu.memory_space<vmem>>, vector<16xi32>,
      %broadcast_in_dim3A_1340 = arith.constant 0.000000e+00 : f32
      %broadcast_in_dim3A_1341 = vector.broadcast %broadcast_in_dim3A_1340 : f32 to vector<16xf32>
      %broadcast_in_dim3A_1342 = arith.constant 1 : i32
      %broadcast_in_dim3A_1343 = vector.broadcast %broadcast_in_dim3A_1342 : i32 to vector<16xi32>
      %broadcast_in_dim3A_1344 = arith.constant 0 : i32
      %broadcast_in_dim3A_1345 = vector.broadcast %broadcast_in_dim3A_1344 : i32 to vector<16xi32>
      %gt3A = arith.cmpf ogt, %add3A_1266, %broadcast_in_dim3A_1341 : vector<16xf32>
      %select_n3A = arith.select %gt3A, %broadcast_in_dim3A_1343, %broadcast_in_dim3A_1345 : vector<16xi1>, vector<16xi32>
      %broadcast_in_dim3A_1346 = arith.constant true
      %broadcast_in_dim3A_1347 = vector.broadcast %broadcast_in_dim3A_1346 : i1 to vector<16xi1>
      %masked_cumsum3A = tpu.scan <sum>, %select_n3A masked %broadcast_in_dim3A_1347 : vector<16xi32>, vector<16xi1> -> vector<16xi32>
      %add3A_1348 = arith.constant 0 : i32
      %add3A_1349 = vector.broadcast %add3A_1348 : i32 to vector<16xi32>
      %add3A_1350 = arith.addi %masked_cumsum3A, %add3A_1349 : vector<16xi32>
      %sub3A = arith.constant 1 : i32
      %sub3A_1351 = vector.broadcast %sub3A : i32 to vector<16xi32>
      %sub3A_1352 = arith.subi %add3A_1350, %sub3A_1351 : vector<16xi32>
      %iota3A = tpu.iota {dimensions = array<i32: 0>} : vector<16xi32>
      %add3A_1353 = arith.constant 0 : i32
      %add3A_1354 = vector.broadcast %add3A_1353 : i32 to vector<16xi32>
      %add3A_1355 = arith.addi %iota3A, %add3A_1354 : vector<16xi32>
      tpu.vector_store_idx %arg9[%sub3A_1352], %add3A_1355 masked %gt3A : memref<64xi32, #tpu.memory_space<vmem>>[vector<16xi32>], vector<16xi32>, vector<16xi1>
      %reduce_sum3A_1356 = arith.constant true
      %reduce_sum3A_1357 = vector.broadcast %reduce_sum3A_1356 : i1 to vector<16xi1>
      %reduce_sum3A_1358 = tpu.scan <sum>, %select_n3A masked %reduce_sum3A_1357 : vector<16xi32>, vector<16xi1> -> vector<16xi32>
      %reduce_sum3A_1359 = vector.extract %reduce_sum3A_1358[15] : i32 from vector<16xi32>
      %add3A_1360 = arith.constant 0 : i32
      %add3A_1361 = arith.addi %add3A_1360, %reduce_sum3A_1359 : i32
      %gt3A_1362 = arith.cmpf ogt, %add3A_1276, %broadcast_in_dim3A_1341 : vector<16xf32>
      %select_n3A_1363 = arith.select %gt3A_1362, %broadcast_in_dim3A_1343, %broadcast_in_dim3A_1345 : vector<16xi1>, vector<16xi32>
      %broadcast_in_dim3A_1364 = arith.constant true
      %broadcast_in_dim3A_1365 = vector.broadcast %broadcast_in_dim3A_1364 : i1 to vector<16xi1>
      %masked_cumsum3A_1366 = tpu.scan <sum>, %select_n3A_1363 masked %broadcast_in_dim3A_1365 : vector<16xi32>, vector<16xi1> -> vector<16xi32>
      %add3A_1367 = vector.broadcast %add3A_1361 : i32 to vector<16xi32>
      %add3A_1368 = arith.addi %masked_cumsum3A_1366, %add3A_1367 : vector<16xi32>
      %sub3A_1369 = arith.constant 1 : i32
      %sub3A_1370 = vector.broadcast %sub3A_1369 : i32 to vector<16xi32>
      %sub3A_1371 = arith.subi %add3A_1368, %sub3A_1370 : vector<16xi32>
      %iota3A_1372 = tpu.iota {dimensions = array<i32: 0>} : vector<16xi32>
      %add3A_1373 = arith.constant 16 : i32
      %add3A_1374 = vector.broadcast %add3A_1373 : i32 to vector<16xi32>
      %add3A_1375 = arith.addi %iota3A_1372, %add3A_1374 : vector<16xi32>
      tpu.vector_store_idx %arg9[%sub3A_1371], %add3A_1375 masked %gt3A_1362 : memref<64xi32, #tpu.memory_space<vmem>>[vector<16xi32>], vector<16xi32>, vector<16xi1>
      %reduce_sum3A_1376 = arith.constant true
      %reduce_sum3A_1377 = vector.broadcast %reduce_sum3A_1376 : i1 to vector<16xi1>
      %reduce_sum3A_1378 = tpu.scan <sum>, %select_n3A_1363 masked %reduce_sum3A_1377 : vector<16xi32>, vector<16xi1> -> vector<16xi32>
      %reduce_sum3A_1379 = vector.extract %reduce_sum3A_1378[15] : i32 from vector<16xi32>
      %add3A_1380 = arith.addi %add3A_1361, %reduce_sum3A_1379 : i32
      %gt3A_1381 = arith.cmpf ogt, %add3A_1286, %broadcast_in_dim3A_1341 : vector<16xf32>
      %select_n3A_1382 = arith.select %gt3A_1381, %broadcast_in_dim3A_1343, %broadcast_in_dim3A_1345 : vector<16xi1>, vector<16xi32>
      %broadcast_in_dim3A_1383 = arith.constant true
      %broadcast_in_dim3A_1384 = vector.broadcast %broadcast_in_dim3A_1383 : i1 to vector<16xi1>
      %masked_cumsum3A_1385 = tpu.scan <sum>, %select_n3A_1382 masked %broadcast_in_dim3A_1384 : vector<16xi32>, vector<16xi1> -> vector<16xi32>
      %add3A_1386 = vector.broadcast %add3A_1380 : i32 to vector<16xi32>
      %add3A_1387 = arith.addi %masked_cumsum3A_1385, %add3A_1386 : vector<16xi32>
      %sub3A_1388 = arith.constant 1 : i32
      %sub3A_1389 = vector.broadcast %sub3A_1388 : i32 to vector<16xi32>
      %sub3A_1390 = arith.subi %add3A_1387, %sub3A_1389 : vector<16xi32>
      %iota3A_1391 = tpu.iota {dimensions = array<i32: 0>} : vector<16xi32>
      %add3A_1392 = arith.constant 32 : i32
      %add3A_1393 = vector.broadcast %add3A_1392 : i32 to vector<16xi32>
      %add3A_1394 = arith.addi %iota3A_1391, %add3A_1393 : vector<16xi32>
      tpu.vector_store_idx %arg9[%sub3A_1390], %add3A_1394 masked %gt3A_1381 : memref<64xi32, #tpu.memory_space<vmem>>[vector<16xi32>], vector<16xi32>, vector<16xi1>
      %reduce_sum3A_1395 = arith.constant true
      %reduce_sum3A_1396 = vector.broadcast %reduce_sum3A_1395 : i1 to vector<16xi1>
      %reduce_sum3A_1397 = tpu.scan <sum>, %select_n3A_1382 masked %reduce_sum3A_1396 : vector<16xi32>, vector<16xi1> -> vector<16xi32>
      %reduce_sum3A_1398 = vector.extract %reduce_sum3A_1397[15] : i32 from vector<16xi32>
      %add3A_1399 = arith.addi %add3A_1380, %reduce_sum3A_1398 : i32
      %gt3A_1400 = arith.cmpf ogt, %add3A_1296, %broadcast_in_dim3A_1341 : vector<16xf32>
      %select_n3A_1401 = arith.select %gt3A_1400, %broadcast_in_dim3A_1343, %broadcast_in_dim3A_1345 : vector<16xi1>, vector<16xi32>
      %broadcast_in_dim3A_1402 = arith.constant true
      %broadcast_in_dim3A_1403 = vector.broadcast %broadcast_in_dim3A_1402 : i1 to vector<16xi1>
      %masked_cumsum3A_1404 = tpu.scan <sum>, %select_n3A_1401 masked %broadcast_in_dim3A_1403 : vector<16xi32>, vector<16xi1> -> vector<16xi32>
      %add3A_1405 = vector.broadcast %add3A_1399 : i32 to vector<16xi32>
      %add3A_1406 = arith.addi %masked_cumsum3A_1404, %add3A_1405 : vector<16xi32>
      %sub3A_1407 = arith.constant 1 : i32
      %sub3A_1408 = vector.broadcast %sub3A_1407 : i32 to vector<16xi32>
      %sub3A_1409 = arith.subi %add3A_1406, %sub3A_1408 : vector<16xi32>
      %iota3A_1410 = tpu.iota {dimensions = array<i32: 0>} : vector<16xi32>
      %add3A_1411 = arith.constant 48 : i32
      %add3A_1412 = vector.broadcast %add3A_1411 : i32 to vector<16xi32>
      %add3A_1413 = arith.addi %iota3A_1410, %add3A_1412 : vector<16xi32>
      tpu.vector_store_idx %arg9[%sub3A_1409], %add3A_1413 masked %gt3A_1400 : memref<64xi32, #tpu.memory_space<vmem>>[vector<16xi32>], vector<16xi32>, vector<16xi1>
      %reduce_sum3A_1414 = arith.constant true
      %reduce_sum3A_1415 = vector.broadcast %reduce_sum3A_1414 : i1 to vector<16xi1>
      %reduce_sum3A_1416 = tpu.scan <sum>, %select_n3A_1401 masked %reduce_sum3A_1415 : vector<16xi32>, vector<16xi1> -> vector<16xi32>
      %reduce_sum3A_1417 = vector.extract %reduce_sum3A_1416[15] : i32 from vector<16xi32>
      %add3A_1418 = arith.addi %add3A_1399, %reduce_sum3A_1417 : i32
      %broadcast_in_dim3A_1419 = vector.broadcast %add3A_1418 : i32 to vector<16xi32>
      %swap3A_1420 = arith.constant 0 : index
      %swap3A_1421 = tpu.vector_load %arg10[%swap3A_1420] {strides = array<i32>} : memref<16xi32, #tpu.memory_space<vmem>>, vector<16xi32>,
      tpu.vector_store %arg10[%swap3A_1420], %broadcast_in_dim3A_1419 {strides = array<i32>} : memref<16xi32, #tpu.memory_space<vmem>>, vector<16xi32>,
      "tpu.region"() ({
        %run_scoped3A = tpu.sem_alloc : memref<!tpu.dma_semaphore, #tpu.memory_space<semaphore_mem>>
        tpu.enqueue_dma source(%arg9 : memref<64xi32, #tpu.memory_space<vmem>>) target(%arg4 : memref<64xi32, #tpu.memory_space<hbm>>) target_semaphore(%run_scoped3A : memref<!tpu.dma_semaphore, #tpu.memory_space<semaphore_mem>>)
        tpu.wait_dma2 semaphore(%run_scoped3A : memref<!tpu.dma_semaphore, #tpu.memory_space<semaphore_mem>>) src(%arg9 : memref<64xi32, #tpu.memory_space<vmem>>) dst(%arg4 : memref<64xi32, #tpu.memory_space<hbm>>)
        tpu.yield
      }) : () -> ()
      "tpu.region"() ({
        %run_scoped3A = tpu.sem_alloc : memref<!tpu.dma_semaphore, #tpu.memory_space<semaphore_mem>>
        tpu.enqueue_dma source(%arg10 : memref<16xi32, #tpu.memory_space<vmem>>) target(%arg5 : memref<16xi32, #tpu.memory_space<hbm>>) target_semaphore(%run_scoped3A : memref<!tpu.dma_semaphore, #tpu.memory_space<semaphore_mem>>)
        tpu.wait_dma2 semaphore(%run_scoped3A : memref<!tpu.dma_semaphore, #tpu.memory_space<semaphore_mem>>) src(%arg10 : memref<16xi32, #tpu.memory_space<vmem>>) dst(%arg5 : memref<16xi32, #tpu.memory_space<hbm>>)
        tpu.yield
      }) : () -> ()
      "tpu.region"() ({
        %run_scoped3A = tpu.sem_alloc : memref<!tpu.dma_semaphore, #tpu.memory_space<semaphore_mem>>
        tpu.enqueue_dma source(%arg11 : memref<16xf32, #tpu.memory_space<vmem>>) target(%arg6 : memref<16xf32, #tpu.memory_space<hbm>>) target_semaphore(%run_scoped3A : memref<!tpu.dma_semaphore, #tpu.memory_space<semaphore_mem>>)
        tpu.wait_dma2 semaphore(%run_scoped3A : memref<!tpu.dma_semaphore, #tpu.memory_space<semaphore_mem>>) src(%arg11 : memref<16xf32, #tpu.memory_space<vmem>>) dst(%arg6 : memref<16xf32, #tpu.memory_space<hbm>>)
        tpu.yield
      }) : () -> ()
    } else {
    }
    return
  }
}

module attributes {stable_mosaic.version = 14 : i64} {
  func.func @_expert_body(%arg0: i32, %arg1: memref<64xi32, #tpu.memory_space<smem>>, %arg2: memref<16xi32, #tpu.memory_space<smem>>, %arg3: memref<32x1024xf32, #tpu.memory_space<vmem>>, %arg4: memref<1x1536x1024xf32, #tpu.memory_space<vmem>>, %arg5: memref<1x1024x768xf32, #tpu.memory_space<vmem>>, %arg6: memref<1x32x1xf32, #tpu.memory_space<vmem>>, %arg7: memref<32x1024xf32, #tpu.memory_space<vmem>>) attributes {dimension_semantics = [#tpu.dimension_semantics<arbitrary>], iteration_bounds = array<i64: -9223372036854775808>, scalar_prefetch = 2 : i64, scratch_operands = 0 : i64, tpu.core_type = #tpu.core_type<tc>, window_params = [{pipeline_mode = #tpu.pipeline_mode<synchronous>, transform_indices = @transform_0, window_bounds = array<i64: 32, 1024>}, {transform_indices = @transform_1, window_bounds = array<i64: 1, 1536, 1024>}, {transform_indices = @transform_2, window_bounds = array<i64: 1, 1024, 768>}, {transform_indices = @transform_3, window_bounds = array<i64: 1, 32, 1>}, {pipeline_mode = #tpu.pipeline_mode<synchronous>, transform_indices = @transform_4, window_bounds = array<i64: 32, 1024>}]} {
    %eq3A = arith.constant 0 : i32
    %eq3A_0 = arith.cmpi eq, %arg0, %eq3A : i32
    %convert_element_type3A = arith.extui %eq3A_0 : i1 to i32
    %cond3A = arith.constant 0 : i32
    %cond3A_1 = arith.cmpi ne, %convert_element_type3A, %cond3A : i32
    scf.if %cond3A_1 {
      %broadcast_in_dim3A = arith.constant 0.000000e+00 : f32
      %broadcast_in_dim3A_36 = vector.broadcast %broadcast_in_dim3A : f32 to vector<32x1024xf32>
      %swap3A_37 = arith.constant 0 : index
      %swap3A_38 = arith.constant 0 : index
      %swap3A_39 = vector.load %arg7[%swap3A_37, %swap3A_38] : memref<32x1024xf32, #tpu.memory_space<vmem>>, vector<32x1024xf32>
      tpu.vector_store %arg7[%swap3A_37, %swap3A_38], %broadcast_in_dim3A_36 {strides = array<i32>} : memref<32x1024xf32, #tpu.memory_space<vmem>>, vector<32x1024xf32>,
    } else {
    }
    %get3A = arith.constant 0 : index
    %get3A_2 = arith.constant 0 : index
    %get3A_3 = vector.load %arg3[%get3A, %get3A_2] : memref<32x1024xf32, #tpu.memory_space<vmem>>, vector<32x1024xf32>
    %get3A_4 = arith.constant 0 : index
    %get3A_5 = arith.constant 0 : index
    %get3A_6 = arith.constant 0 : index
    %get3A_7 = vector.load %arg4[%get3A_4, %get3A_5, %get3A_6] : memref<1x1536x1024xf32, #tpu.memory_space<vmem>>, vector<1x1536x1024xf32>
    %get3A_8 = vector.shape_cast %get3A_7 : vector<1x1536x1024xf32> to vector<1536x1024xf32>
    %dot_general3A = arith.constant dense<0.000000e+00> : vector<32x1536xf32>
    %dot_general3A_9 = tpu.matmul %get3A_3, %get3A_8, %dot_general3A {dimension_numbers = #tpu.dot_dimension_numbers<[1], [1], [0], [0], [0, 0, 1, 0], [], []>, transpose_lhs_hint = false} : vector<32x1024xf32>, vector<1536x1024xf32>, vector<32x1536xf32> -> vector<32x1536xf32>
    %slice3A = vector.extract_strided_slice %dot_general3A_9 {offsets = [0, 0], sizes = [32, 768], strides = [1, 1]} : vector<32x1536xf32> to vector<32x768xf32>
    %slice3A_10 = vector.extract_strided_slice %dot_general3A_9 {offsets = [0, 768], sizes = [32, 768], strides = [1, 1]} : vector<32x1536xf32> to vector<32x768xf32>
    %logistic3A = arith.negf %slice3A : vector<32x768xf32>
    %logistic3A_11 = math.exp %logistic3A : vector<32x768xf32>
    %logistic3A_12 = arith.constant 1.000000e+00 : f32
    %logistic3A_13 = vector.broadcast %logistic3A_12 : f32 to vector<32x768xf32>
    %logistic3A_14 = arith.addf %logistic3A_13, %logistic3A_11 : vector<32x768xf32>
    %logistic3A_15 = arith.divf %logistic3A_13, %logistic3A_14 : vector<32x768xf32>
    %mul3A = arith.mulf %slice3A, %logistic3A_15 : vector<32x768xf32>
    %mul3A_16 = arith.mulf %mul3A, %slice3A_10 : vector<32x768xf32>
    %get3A_17 = arith.constant 0 : index
    %get3A_18 = arith.constant 0 : index
    %get3A_19 = arith.constant 0 : index
    %get3A_20 = vector.load %arg5[%get3A_17, %get3A_18, %get3A_19] : memref<1x1024x768xf32, #tpu.memory_space<vmem>>, vector<1x1024x768xf32>
    %get3A_21 = vector.shape_cast %get3A_20 : vector<1x1024x768xf32> to vector<1024x768xf32>
    %dot_general3A_22 = arith.constant dense<0.000000e+00> : vector<32x1024xf32>
    %dot_general3A_23 = tpu.matmul %mul3A_16, %get3A_21, %dot_general3A_22 {dimension_numbers = #tpu.dot_dimension_numbers<[1], [1], [0], [0], [0, 0, 1, 0], [], []>, transpose_lhs_hint = false} : vector<32x768xf32>, vector<1024x768xf32>, vector<32x1024xf32> -> vector<32x1024xf32>
    %get3A_24 = arith.constant 0 : index
    %get3A_25 = arith.constant 0 : index
    %get3A_26 = arith.constant 0 : index
    %get3A_27 = vector.load %arg6[%get3A_24, %get3A_25, %get3A_26] : memref<1x32x1xf32, #tpu.memory_space<vmem>>, vector<1x32x1xf32>
    %get3A_28 = vector.shape_cast %get3A_27 : vector<1x32x1xf32> to vector<32x1xf32>
    %get3A_29 = arith.constant 0 : index
    %get3A_30 = arith.constant 0 : index
    %get3A_31 = vector.load %arg7[%get3A_29, %get3A_30] : memref<32x1024xf32, #tpu.memory_space<vmem>>, vector<32x1024xf32>
    %mul3A_32 = vector.broadcast %get3A_28 : vector<32x1xf32> to vector<32x1024xf32>
    %mul3A_33 = arith.mulf %mul3A_32, %dot_general3A_23 : vector<32x1024xf32>
    %add3A = arith.addf %get3A_31, %mul3A_33 : vector<32x1024xf32>
    %swap3A = arith.constant 0 : index
    %swap3A_34 = arith.constant 0 : index
    %swap3A_35 = vector.load %arg7[%swap3A, %swap3A_34] : memref<32x1024xf32, #tpu.memory_space<vmem>>, vector<32x1024xf32>
    tpu.vector_store %arg7[%swap3A, %swap3A_34], %add3A {strides = array<i32>} : memref<32x1024xf32, #tpu.memory_space<vmem>>, vector<32x1024xf32>,
    return
  }
  func.func @transform_0(%arg0: i32, %arg1: memref<64xi32, #tpu.memory_space<smem>>, %arg2: memref<16xi32, #tpu.memory_space<smem>>) -> (i32, i32) {
    %c0_i32 = arith.constant 0 : i32
    %c0_i32_0 = arith.constant 0 : i32
    %c0_i32_1 = arith.constant 0 : i32
    return %c0_i32, %c0_i32_0 : i32, i32
  }
  func.func @transform_1(%arg0: i32, %arg1: memref<64xi32, #tpu.memory_space<smem>>, %arg2: memref<16xi32, #tpu.memory_space<smem>>) -> (i32, i32, i32) {
    %get3A = arith.index_cast %arg0 : i32 to index
    %get3A_0 = memref.load %arg1[%get3A] : memref<64xi32, #tpu.memory_space<smem>>
    %c0_i32 = arith.constant 0 : i32
    %c0_i32_1 = arith.constant 0 : i32
    %c0_i32_2 = arith.constant 0 : i32
    return %get3A_0, %c0_i32, %c0_i32_1 : i32, i32, i32
  }
  func.func @transform_2(%arg0: i32, %arg1: memref<64xi32, #tpu.memory_space<smem>>, %arg2: memref<16xi32, #tpu.memory_space<smem>>) -> (i32, i32, i32) {
    %get3A = arith.index_cast %arg0 : i32 to index
    %get3A_0 = memref.load %arg1[%get3A] : memref<64xi32, #tpu.memory_space<smem>>
    %c0_i32 = arith.constant 0 : i32
    %c0_i32_1 = arith.constant 0 : i32
    %c0_i32_2 = arith.constant 0 : i32
    return %get3A_0, %c0_i32, %c0_i32_1 : i32, i32, i32
  }
  func.func @transform_3(%arg0: i32, %arg1: memref<64xi32, #tpu.memory_space<smem>>, %arg2: memref<16xi32, #tpu.memory_space<smem>>) -> (i32, i32, i32) {
    %get3A = arith.index_cast %arg0 : i32 to index
    %get3A_0 = memref.load %arg1[%get3A] : memref<64xi32, #tpu.memory_space<smem>>
    %c0_i32 = arith.constant 0 : i32
    %c0_i32_1 = arith.constant 0 : i32
    %c0_i32_2 = arith.constant 0 : i32
    return %get3A_0, %c0_i32, %c0_i32_1 : i32, i32, i32
  }
  func.func @transform_4(%arg0: i32, %arg1: memref<64xi32, #tpu.memory_space<smem>>, %arg2: memref<16xi32, #tpu.memory_space<smem>>) -> (i32, i32) {
    %c0_i32 = arith.constant 0 : i32
    %c0_i32_0 = arith.constant 0 : i32
    %c0_i32_1 = arith.constant 0 : i32
    return %c0_i32, %c0_i32_0 : i32, i32
  }
}

module attributes {stable_mosaic.version = 14 : i64} {
  func.func @_router_body(%arg0: memref<32x1024xf32, #tpu.memory_space<vmem>>, %arg1: memref<1024x64xf32, #tpu.memory_space<vmem>>, %arg2: memref<32x64xf32, #tpu.memory_space<vmem>>, %arg3: memref<32x64xf32, #tpu.memory_space<vmem>>, %arg4: memref<64x32xf32, #tpu.memory_space<vmem>>, %arg5: memref<32x64xf32, #tpu.memory_space<vmem>>) attributes {dimension_semantics = [], scalar_prefetch = 0 : i64, scratch_operands = 0 : i64, tpu.core_type = #tpu.core_type<tc>} {
    %get3A = arith.constant 0 : index
    %get3A_0 = arith.constant 0 : index
    %get3A_1 = vector.load %arg0[%get3A, %get3A_0] : memref<32x1024xf32, #tpu.memory_space<vmem>>, vector<32x1024xf32>
    %get3A_2 = arith.constant 0 : index
    %get3A_3 = arith.constant 0 : index
    %get3A_4 = vector.load %arg1[%get3A_2, %get3A_3] : memref<1024x64xf32, #tpu.memory_space<vmem>>, vector<1024x64xf32>
    %dot_general3A = arith.constant dense<0.000000e+00> : vector<32x64xf32>
    %dot_general3A_5 = tpu.matmul %get3A_1, %get3A_4, %dot_general3A {dimension_numbers = #tpu.dot_dimension_numbers<[1], [0], [0], [1], [0, 0, 1, 1], [], []>, transpose_lhs_hint = false} : vector<32x1024xf32>, vector<1024x64xf32>, vector<32x64xf32> -> vector<32x64xf32>
    %swap3A = arith.constant 0 : index
    %swap3A_6 = arith.constant 0 : index
    %swap3A_7 = vector.load %arg2[%swap3A, %swap3A_6] : memref<32x64xf32, #tpu.memory_space<vmem>>, vector<32x64xf32>
    tpu.vector_store %arg2[%swap3A, %swap3A_6], %dot_general3A_5 {strides = array<i32>} : memref<32x64xf32, #tpu.memory_space<vmem>>, vector<32x64xf32>,
    %reduce_max3A = arith.constant dense<0xFF800000> : vector<32xf32>
    %reduce_max3A_8 = vector.multi_reduction <maximumf>, %dot_general3A_5, %reduce_max3A [1] : vector<32x64xf32> to vector<32xf32>
    %broadcast_in_dim3A = vector.shape_cast %reduce_max3A_8 : vector<32xf32> to vector<32x1xf32>
    %sub3A = vector.broadcast %broadcast_in_dim3A : vector<32x1xf32> to vector<32x64xf32>
    %sub3A_9 = arith.subf %dot_general3A_5, %sub3A : vector<32x64xf32>
    %exp3A = math.exp %sub3A_9 : vector<32x64xf32>
    %reduce_sum3A = arith.constant dense<0.000000e+00> : vector<32xf32>
    %reduce_sum3A_10 = vector.multi_reduction <add>, %exp3A, %reduce_sum3A [1] : vector<32x64xf32> to vector<32xf32>
    %broadcast_in_dim3A_11 = vector.shape_cast %reduce_sum3A_10 : vector<32xf32> to vector<32x1xf32>
    %div3A = vector.broadcast %broadcast_in_dim3A_11 : vector<32x1xf32> to vector<32x64xf32>
    %div3A_12 = arith.divf %exp3A, %div3A : vector<32x64xf32>
    %iota3A = tpu.iota {dimensions = array<i32: 1>} : vector<32x64xi32>
    %reduce_max3A_13 = arith.constant dense<0xFF800000> : vector<32xf32>
    %reduce_max3A_14 = vector.multi_reduction <maximumf>, %div3A_12, %reduce_max3A_13 [1] : vector<32x64xf32> to vector<32xf32>
    %broadcast_in_dim3A_15 = vector.shape_cast %reduce_max3A_14 : vector<32xf32> to vector<32x1xf32>
    %eq3A = vector.broadcast %broadcast_in_dim3A_15 : vector<32x1xf32> to vector<32x64xf32>
    %eq3A_16 = arith.cmpf oeq, %div3A_12, %eq3A : vector<32x64xf32>
    %jit3A = arith.constant 64 : i32
    %broadcast_in_dim3A_17 = vector.broadcast %jit3A : i32 to vector<32x64xi32>
    %select_n3A = arith.select %eq3A_16, %iota3A, %broadcast_in_dim3A_17 : vector<32x64xi1>, vector<32x64xi32>
    %reduce_min3A = arith.constant dense<2147483647> : vector<32xi32>
    %reduce_min3A_18 = vector.multi_reduction <minsi>, %select_n3A, %reduce_min3A [1] : vector<32x64xi32> to vector<32xi32>
    %broadcast_in_dim3A_19 = vector.shape_cast %reduce_min3A_18 : vector<32xi32> to vector<32x1xi32>
    %eq3A_20 = vector.broadcast %broadcast_in_dim3A_19 : vector<32x1xi32> to vector<32x64xi32>
    %eq3A_21 = arith.cmpi eq, %iota3A, %eq3A_20 : vector<32x64xi32>
    %jit3A_22 = arith.constant -1.000000e+00 : f32
    %broadcast_in_dim3A_23 = vector.broadcast %jit3A_22 : f32 to vector<32x64xf32>
    %select_n3A_24 = arith.select %eq3A_21, %broadcast_in_dim3A_23, %div3A_12 : vector<32x64xi1>, vector<32x64xf32>
    %reduce_max3A_25 = arith.constant dense<0xFF800000> : vector<32xf32>
    %reduce_max3A_26 = vector.multi_reduction <maximumf>, %select_n3A_24, %reduce_max3A_25 [1] : vector<32x64xf32> to vector<32xf32>
    %broadcast_in_dim3A_27 = vector.shape_cast %reduce_max3A_26 : vector<32xf32> to vector<32x1xf32>
    %eq3A_28 = vector.broadcast %broadcast_in_dim3A_27 : vector<32x1xf32> to vector<32x64xf32>
    %eq3A_29 = arith.cmpf oeq, %select_n3A_24, %eq3A_28 : vector<32x64xf32>
    %jit3A_30 = arith.constant 64 : i32
    %broadcast_in_dim3A_31 = vector.broadcast %jit3A_30 : i32 to vector<32x64xi32>
    %select_n3A_32 = arith.select %eq3A_29, %iota3A, %broadcast_in_dim3A_31 : vector<32x64xi1>, vector<32x64xi32>
    %reduce_min3A_33 = arith.constant dense<2147483647> : vector<32xi32>
    %reduce_min3A_34 = vector.multi_reduction <minsi>, %select_n3A_32, %reduce_min3A_33 [1] : vector<32x64xi32> to vector<32xi32>
    %broadcast_in_dim3A_35 = vector.shape_cast %reduce_min3A_34 : vector<32xi32> to vector<32x1xi32>
    %add3A = arith.addf %broadcast_in_dim3A_15, %broadcast_in_dim3A_27 : vector<32x1xf32>
    %div3A_36 = arith.divf %broadcast_in_dim3A_15, %add3A : vector<32x1xf32>
    %div3A_37 = arith.divf %broadcast_in_dim3A_27, %add3A : vector<32x1xf32>
    %swap3A_38 = arith.constant 0 : index
    %swap3A_39 = arith.constant 0 : index
    %swap3A_40 = vector.load %arg3[%swap3A_38, %swap3A_39] : memref<32x64xf32, #tpu.memory_space<vmem>>, vector<32x64xf32>
    tpu.vector_store %arg3[%swap3A_38, %swap3A_39], %div3A_12 {strides = array<i32>} : memref<32x64xf32, #tpu.memory_space<vmem>>, vector<32x64xf32>,
    %iota3A_41 = tpu.iota {dimensions = array<i32: 0>} : vector<64x32xi32>
    %reshape3A = vector.shape_cast %broadcast_in_dim3A_19 : vector<32x1xi32> to vector<1x32xi32>
    %broadcast_in_dim3A_42 = vector.shape_cast %reshape3A : vector<1x32xi32> to vector<1x32xi32>
    %broadcast_in_dim3A_43 = vector.broadcast %broadcast_in_dim3A_42 : vector<1x32xi32> to vector<64x32xi32>
    %reshape3A_44 = vector.shape_cast %broadcast_in_dim3A_35 : vector<32x1xi32> to vector<1x32xi32>
    %broadcast_in_dim3A_45 = vector.shape_cast %reshape3A_44 : vector<1x32xi32> to vector<1x32xi32>
    %broadcast_in_dim3A_46 = vector.broadcast %broadcast_in_dim3A_45 : vector<1x32xi32> to vector<64x32xi32>
    %reshape3A_47 = vector.shape_cast %div3A_36 : vector<32x1xf32> to vector<1x32xf32>
    %broadcast_in_dim3A_48 = vector.shape_cast %reshape3A_47 : vector<1x32xf32> to vector<1x32xf32>
    %broadcast_in_dim3A_49 = vector.broadcast %broadcast_in_dim3A_48 : vector<1x32xf32> to vector<64x32xf32>
    %reshape3A_50 = vector.shape_cast %div3A_37 : vector<32x1xf32> to vector<1x32xf32>
    %broadcast_in_dim3A_51 = vector.shape_cast %reshape3A_50 : vector<1x32xf32> to vector<1x32xf32>
    %broadcast_in_dim3A_52 = vector.broadcast %broadcast_in_dim3A_51 : vector<1x32xf32> to vector<64x32xf32>
    %eq3A_53 = arith.cmpi eq, %iota3A_41, %broadcast_in_dim3A_43 : vector<64x32xi32>
    %jit3A_54 = arith.constant 0.000000e+00 : f32
    %broadcast_in_dim3A_55 = vector.broadcast %jit3A_54 : f32 to vector<64x32xf32>
    %select_n3A_56 = arith.select %eq3A_53, %broadcast_in_dim3A_49, %broadcast_in_dim3A_55 : vector<64x32xi1>, vector<64x32xf32>
    %eq3A_57 = arith.cmpi eq, %iota3A_41, %broadcast_in_dim3A_46 : vector<64x32xi32>
    %jit3A_58 = arith.constant 0.000000e+00 : f32
    %broadcast_in_dim3A_59 = vector.broadcast %jit3A_58 : f32 to vector<64x32xf32>
    %select_n3A_60 = arith.select %eq3A_57, %broadcast_in_dim3A_52, %broadcast_in_dim3A_59 : vector<64x32xi1>, vector<64x32xf32>
    %add3A_61 = arith.addf %select_n3A_56, %select_n3A_60 : vector<64x32xf32>
    %swap3A_62 = arith.constant 0 : index
    %swap3A_63 = arith.constant 0 : index
    %swap3A_64 = vector.load %arg4[%swap3A_62, %swap3A_63] : memref<64x32xf32, #tpu.memory_space<vmem>>, vector<64x32xf32>
    tpu.vector_store %arg4[%swap3A_62, %swap3A_63], %add3A_61 {strides = array<i32>} : memref<64x32xf32, #tpu.memory_space<vmem>>, vector<64x32xf32>,
    %eq3A_65 = vector.broadcast %broadcast_in_dim3A_19 : vector<32x1xi32> to vector<32x64xi32>
    %eq3A_66 = arith.cmpi eq, %iota3A, %eq3A_65 : vector<32x64xi32>
    %jit3A_67 = arith.constant 1.000000e+00 : f32
    %jit3A_68 = arith.constant 0.000000e+00 : f32
    %broadcast_in_dim3A_69 = vector.broadcast %jit3A_67 : f32 to vector<32x64xf32>
    %broadcast_in_dim3A_70 = vector.broadcast %jit3A_68 : f32 to vector<32x64xf32>
    %select_n3A_71 = arith.select %eq3A_66, %broadcast_in_dim3A_69, %broadcast_in_dim3A_70 : vector<32x64xi1>, vector<32x64xf32>
    %eq3A_72 = vector.broadcast %broadcast_in_dim3A_35 : vector<32x1xi32> to vector<32x64xi32>
    %eq3A_73 = arith.cmpi eq, %iota3A, %eq3A_72 : vector<32x64xi32>
    %jit3A_74 = arith.constant 1.000000e+00 : f32
    %jit3A_75 = arith.constant 0.000000e+00 : f32
    %broadcast_in_dim3A_76 = vector.broadcast %jit3A_74 : f32 to vector<32x64xf32>
    %broadcast_in_dim3A_77 = vector.broadcast %jit3A_75 : f32 to vector<32x64xf32>
    %select_n3A_78 = arith.select %eq3A_73, %broadcast_in_dim3A_76, %broadcast_in_dim3A_77 : vector<32x64xi1>, vector<32x64xf32>
    %add3A_79 = arith.addf %select_n3A_71, %select_n3A_78 : vector<32x64xf32>
    %swap3A_80 = arith.constant 0 : index
    %swap3A_81 = arith.constant 0 : index
    %swap3A_82 = vector.load %arg5[%swap3A_80, %swap3A_81] : memref<32x64xf32, #tpu.memory_space<vmem>>, vector<32x64xf32>
    tpu.vector_store %arg5[%swap3A_80, %swap3A_81], %add3A_79 {strides = array<i32>} : memref<32x64xf32, #tpu.memory_space<vmem>>, vector<32x64xf32>,
    return
  }
}

</mosaic_0001>

<sc_bundles>
// kernel: kernel.5.cloned.1.call-start
scs
__scs_entry_jumppad:
0x0: {  	(pc) =	sbr.rel $0x88, $3  }
0x1: {  	(tag) =	ssettag $0x0;
	lr =	simm.s32 $0x1  }
0x2: {  	[smem:$0x3F9D] =	sst lr;
	_ =	strace $0xD0000000  }
0x3: {  	_ = 	snop  }
0x4: {  	_ = 	snop  }
0x5: {  	_ = 	snop  }
0x6: {  	_ = 	snop  }
0x7: {  	_ = 	snop  }
__scs_overlays_trampoline_lowered:
0x8: {  	[smem:$0x3FAC] =	sst s0  }
0x9: {  	[smem:$0x3FAD] =	sst s1  }
0xa: {  	[smem:$0x3FAE] =	sst s2  }
0xb: {  	[smem:$0x3FAF] =	sst s3  }
0xc: {  	[smem:$0x3FB0] =	sst s4  }
0xd: {  	[smem:$0x3FB1] =	sst s5  }
0xe: {  	[smem:$0x3FB2] =	sst s6  }
0xf: {  	[smem:$0x3FB3] =	sst s7  }
0x10: {  	[smem:$0x3FB4] =	sst s8  }
0x11: {  	[smem:$0x3FB5] =	sst s9;
	s0 =	simm.s32 @!p0 $0x0  }
0x12: {  	s1 =	sld [smem:$0x3F9B];
	s0 =	simm.s32 @p0 $0x1  }
0x13: {  	[smem:$0x3FB6] =	sst s0;
	s0 =	simm.s32 @!p1 $0x0  }
0x14: {  	s2 =	sld [smem:$0x3F9A];
	s0 =	simm.s32 @p1 $0x1  }
0x15: {  	[smem:$0x3FB7] =	sst s0;
	s0 =	simm.s32 @!p2 $0x0  }
0x16: {  	s3 =	sld [smem:$0x3FDB];
	s0 =	simm.s32 @p2 $0x1  }
0x17: {  	s4 =	simm.s32 $0x1BF5;
	[smem:$0x3FB9] =	sst s0  }
0x18: {  	s0 =	sld [smem:$0x3F9C];
	_ =	swait.ge [sflag:s4], $0x0  }
0x19: {  	s7 =	sld [smem:$0x3F9D]  }
0x1a: {  	s8 =	sadd.s32 $0xFFFFE003, lr  }
0x1b: {  	s9 =	sadd.s32 $0xFFFFFEF7, lr;
	s5 =	simm.s32 $0xFFFFFFFF;
	p2 =	slt.u32 s8, $0xFFFFF086  }
0x1c: {  	p1 =	slt.u32 s9, $0xF7A;
	s5 =	simm.s32 @!p2 $0x0  }
0x1d: {  	s5 =	simm.s32 @p1 $0x1;
	p0 =	seq.s32 s7, s2  }
0x1e: {  	s7 =	smul.u32 @!p0 $0xF7A, s2;
	p2 =	seq.s32 @!p0 s5, $0x0  }
0x1f: {  	s9 =	smul.u32 $0xF7A, s1;
	s8 =	simm.s32 @!p0 $0x1BF5;
	p2 =	por !p2, p0  }
0x20: {  	[sflag:s8] =	ssyncset.s32 @!p0 $0xFFFFF086;
	s6 =	sadd.s32 @!p0 s3, s7;
	s7 =	simm.s32 @!p0 $0x108  }
0x21: {  	s3 =	sadd.s32 s3, s9;
	s6 =	sadd.s32 @!p0 $0x88, s6;
	s7 =	simm.s32 @p2 $0x1082  }
0x22: {  	[simem:s7], [sflag:s8] =	dma.local @!p0 [hbm:s6], $0xF7A  }
0x23: {  	s9 =	sor.u32 $0xD0000000, s2;
	s6 =	simm.s32 $0x108;
	_ =	swait.ge @!p0 [sflag:s8], $0x0  }
0x24: {  	s3 =	sadd.s32 $0x88, s3;
	s6 =	simm.s32 @!p1 $0x1082;
	[sflag:s4] =	ssyncset.s32 $0xFFFFF086  }
0x25: {  	[simem:s6], [sflag:s4] =	dma.local [hbm:s3], $0xF7A  }
0x26: {  	[smem:$0x3F9D] =	sst s1;
	(tag) =	ssettag s2;
	_ =	strace s9  }
0x27: {  	s1 =	sld [smem:$0x3FAD]  }
0x28: {  	s2 =	sld [smem:$0x3FAE]  }
0x29: {  	s4 =	sld [smem:$0x3FB0]  }
0x2a: {  	p0 =	seq.s32 s5, $0x0;
	s5 =	sld [smem:$0x3FB1]  }
0x2b: {  	s6 =	sld [smem:$0x3FB2]  }
0x2c: {  	s7 =	sld [smem:$0x3FB3]  }
0x2d: {  	s3 =	simm.s32 $0x108;
	s8 =	sld [smem:$0x3FB4]  }
0x2e: {  	s3 =	simm.s32 @!p0 $0x1082;
	s9 =	sld [smem:$0x3FB5]  }
0x2f: {  	lr =	sadd.s32 s0, s3;
	s0 =	sld [smem:$0x3FAC]  }
0x30: {  	s3 =	sld [smem:$0x3FAF]  }
0x31: {  	[smem:$0x3FB8] =	sst s10  }
0x32: {  	s10 =	sld [smem:$0x3FB6];
	_ =	sdelay $0x3  }
0x33: {  	p0 =	seq.s32 s10, $0x1;
	s10 =	sld [smem:$0x3FB8];
	_ =	sdelay $0x3  }
0x34: {  	[smem:$0x3FB8] =	sst s10  }
0x35: {  	s10 =	sld [smem:$0x3FB7];
	_ =	sdelay $0x3  }
0x36: {  	p1 =	seq.s32 s10, $0x1;
	s10 =	sld [smem:$0x3FB8];
	_ =	sdelay $0x3  }
0x37: {  	[smem:$0x3FB8] =	sst s10  }
0x38: {  	s10 =	sld [smem:$0x3FB9]  }
0x39: {  	_ = 	snop;
	(pc) =	sbr.ind lr, $3  }
0x3a: {  	_ = 	snop  }
0x3b: {  	_ = 	snop  }
0x3c: {  	p2 =	seq.s32 s10, $0x1;
	s10 =	sld [smem:$0x3FB8]  }
0x3d: {  	_ =	shalt  }
0x3e: {  	_ =	shalt  }
0x3f: {  	_ =	shalt  }
0x40: {  	_ =	shalt  }
0x41: {  	_ =	shalt  }
0x42: {  	_ =	shalt  }
0x43: {  	_ =	shalt  }
0x44: {  	_ =	shalt  }
0x45: {  	_ =	shalt  }
0x46: {  	_ =	shalt  }
0x47: {  	_ =	shalt  }
0x48: {  	_ =	shalt  }
0x49: {  	_ =	shalt  }
0x4a: {  	_ =	shalt  }
0x4b: {  	_ =	shalt  }
0x4c: {  	_ =	shalt  }
0x4d: {  	_ =	shalt  }
0x4e: {  	_ =	shalt  }
0x4f: {  	_ =	shalt  }
0x50: {  	_ =	shalt  }
0x51: {  	_ =	shalt  }
0x52: {  	_ =	shalt  }
0x53: {  	_ =	shalt  }
0x54: {  	_ =	shalt  }
0x55: {  	_ =	shalt  }
0x56: {  	_ =	shalt  }
0x57: {  	_ =	shalt  }
0x58: {  	_ =	shalt  }
0x59: {  	_ =	shalt  }
0x5a: {  	_ =	shalt  }
0x5b: {  	_ =	shalt  }
0x5c: {  	_ =	shalt  }
0x5d: {  	_ =	shalt  }
0x5e: {  	_ =	shalt  }
0x5f: {  	_ =	shalt  }
0x60: {  	_ =	shalt  }
0x61: {  	_ =	shalt  }
0x62: {  	_ =	shalt  }
0x63: {  	_ =	shalt  }
0x64: {  	_ =	shalt  }
0x65: {  	_ =	shalt  }
0x66: {  	_ =	shalt  }
0x67: {  	_ =	shalt  }
0x68: {  	_ =	shalt  }
0x69: {  	_ =	shalt  }
0x6a: {  	_ =	shalt  }
0x6b: {  	_ =	shalt  }
0x6c: {  	_ =	shalt  }
0x6d: {  	_ =	shalt  }
0x6e: {  	_ =	shalt  }
0x6f: {  	_ =	shalt  }
0x70: {  	_ =	shalt  }
0x71: {  	_ =	shalt  }
0x72: {  	_ =	shalt  }
0x73: {  	_ =	shalt  }
0x74: {  	_ =	shalt  }
0x75: {  	_ =	shalt  }
0x76: {  	_ =	shalt  }
0x77: {  	_ =	shalt  }
0x78: {  	_ =	shalt  }
0x79: {  	_ =	shalt  }
0x7a: {  	_ =	shalt  }
0x7b: {  	_ =	shalt  }
0x7c: {  	_ =	shalt  }
0x7d: {  	_ =	shalt  }
0x7e: {  	_ =	shalt  }
0x7f: {  	_ =	shalt  }
0x80: {  	_ =	shalt  }
0x81: {  	_ =	shalt  }
0x82: {  	_ =	shalt  }
0x83: {  	_ =	shalt  }
0x84: {  	_ =	shalt  }
0x85: {  	_ =	shalt  }
0x86: {  	_ =	shalt  }
0x87: {  	_ =	shalt  }
.Lfunc_end0:
.L_simem_size_0:
called_computation_lowered:
.L_overlay_start_0:
0x88: {  	s2 =	sld [smem:$0x3FD9]  }
0x89: {  	s3 =	sld [smem:$0x3FFE];
	_ =	sdelay $0x1  }
0x8a: {  	s1 =	srdreg.scid  }
0x8b: {  	s0 =	sand.u32 $0x1, s1  }
0x8c: {  	s14 =	sshll.u32 s0, $0xA;
	s2 =	sadd.s32 s3, s2  }
0x8d: {  	s2 =	sadd.s32 s2, s14  }
0x8e: {  	[smem:$0x3FC4] =	sst s2  }
0x8f: {  	_ = 	snop  }
0x90: {  	s2 =	sld [smem:$0x3FD0];
	_ =	sdelay $0x2  }
0x91: {  	s15 =	simm.s32 $0xA;
	s4 =	simm.s32 $0x10  }
0x92: {  	[smem:s4], [sflag:s15] =	dma.local [hbm:s2], $0x1  }
0x93: {  	_ =	swait.eq [sflag:s15], $0x1  }
0x94: {  	[sflag:s15] =	ssyncset.done $0x0  }
0x95: {  	s16 =	sld [smem:$0x10];
	[sflag:s15] =	ssyncadd.s32 $0xFFFFFFFF  }
0x96: {  	s17 =	sld [smem:$0x12];
	(tm) =	ssettm $0x1  }
0x97: {  	s18 =	sld [smem:$0x3FFB];
	_ =	sdelay $0x3  }
0x98: {  	_ =	strace s18  }
0x99: {  	s4 =	sld [smem:$0x3FFC];
	_ =	sdelay $0x3  }
0x9a: {  	_ =	strace s4  }
0x9b: {  	s4 =	sld [smem:$0x3FFD];
	_ =	sdelay $0x3  }
0x9c: {  	_ =	strace s4  }
0x9d: {  	_ =	strace $0x8FFFFFFF  }
0x9e: {  	s19 =	sld [smem:$0x3FDB];
	_ =	sdelay $0x1  }
0x9f: {  	s5 =	simm.s32 $_scs_section_size  }
0xa0: {  	s6 =	simm.s32 $_size__tile_overlayer_lowered;
	s7 =	simm.s32 $_tile_overlayer_lowered  }
0xa1: {  	s22 =	simm.s32 $0x1BFF;
	s21 =	sshll.u32 s7, $0x1;
	s4 =	sadd.s32 s5, s19  }
0xa2: {  	s8 =	simm.s32 $0x0;
	s20 =	sshll.u32 s6, $0x1;
	s6 =	sadd.s32 s21, s4  }
0xa3: {  	[timem:s8], [sflag:s22] =	dma.local [hbm:s6], s20  }
0xa4: {  	_ =	swait.ge [sflag:s22], s20  }
0xa5: {  	s5 =	ssub.s32 $0x0, s20;
	[sflag:s22] =	ssyncset.done $0x0  }
0xa6: {  	[sflag:s22] =	ssyncadd.s32 s5;
	_ =	sdelay $0x1  }
0xa7: {  	s23 =	simm.s32 $0x1B8B  }
0xa8: {  	_ =	swait.ge [sflag:s23], $0x1  }
0xa9: {  	[sflag:s23] =	ssyncset.done $0x0  }
0xaa: {  	s25 =	simm.s32 $0x1B8E;
	s24 =	sld [smem:$0x3FFE];
	[sflag:s23] =	ssyncadd.s32 $0xFFFFFFFF  }
0xab: {  	s26 =	simm.s32 $execute0_lowered;
	[smem:$0x3FD2] =	sst s25  }
0xac: {  	s6 =	sshll.u32 s26, $0x1;
	_ =	strace $0x80000046;
	[dreg:$0x1] =	wrdreg $0xFFFFFFFF  }
0xad: {  	s28 =	simm.s32 $_size_execute0_lowered;
	s4 =	sadd.s32 s4, s6;
	[dreg:$0x0] =	wrdreg $0x0  }
0xae: {  	s6 =	sshll.u32 s28, $0x1;
	[dreg:$0x2] =	wrdreg s4  }
0xaf: {  	[dreg:$0x3] =	wrdreg s6  }
0xb0: {  	[dreg:$0x4] =	wrdreg $0xC0  }
0xb1: {  	_ =	task [dreg:s8], $0x5FFFF  }
0xb2: {  	[dreg:$0x1] =	wrdreg $0xFFFFFFFF  }
0xb3: {  	[dreg:$0x0] =	wrdreg $0x60  }
0xb4: {  	[dreg:$0x2] =	wrdreg s16  }
0xb5: {  	[dreg:$0x3] =	wrdreg s24  }
0xb6: {  	[dreg:$0x4] =	wrdreg s17  }
0xb7: {  	[dreg:$0x5] =	wrdreg $0x9  }
0xb8: {  	_ =	task.clear_ibuf [dreg:s8], $0x6FFFF;
	_ =	strace $0x90000046  }
0xb9: {  	s29 =	simm.s32 $0x9;
	_ =	strace $0x80000048  }
0xba: {  	_ =	swait.ge [sflag:s29], $0x1  }
0xbb: {  	[sflag:s29] =	ssyncadd.s32 $0xFFFFFFFF  }
0xbc: {  	_ =	strace $0x90000048  }
0xbd: {  	_ =	sfence  }
0xbe: {  	s30 =	sld [smem:$0x0];
	_ =	sdelay $0x2  }
0xbf: {  	s31 =	sshll.u32 s1, $0xD;
	s1 =	sshrl.u32 s1, $0x2  }
0xc0: {  	s3 =	sand.u32 $0x4000, s31;
	s1 =	sadd.s32 s1, s30  }
0xc1: {  	s0 =	sor.u32 s3, s0;
	s1 =	sshll.u32 s1, $0x11  }
0xc2: {  	s0 =	sor.u32 s1, s0  }
0xc3: {  	s0 =	sadd.s32 $0x8F2B, s0  }
0xc4: {  	[sflag:s0] =	ssyncadd.remote.s32 $0x1  }
0xc5: {  	_ =	sfence.sel $0xFFFF  }
0xc6: {  	[dreg:$0x0] =	wrdreg $0xFFFFFFFF;
	(pc) =	sbr.abs _section_cstart, $3  }
0xc7: {  	[dreg:$0x1] =	wrdreg $0xFFFFFFFF  }
0xc8: {  	_ =	task.clear_ibuf [dreg:s8], $0x2FFFF;
	_ =	strace $0x9FFFFFFF  }
0xc9: {  	(tm) =	ssettm $0x7FFFFFFF  }
tec
execute0_lowered:
.L_overlay_start_1:
0x0: {  	(tag) =	ssettag $0x1  }
0x1: {  	s0 =	srdreg.scid  }
0x2: {  	s4 =	sand.u32 $0x1, s0;
	s0 =	stileid.u32  }
0x3: {  	s5 =	sor.u32 s0, s4  }
0x4: {  	p0 =	sne.s32 s5, $0x0  }
.Ltmp0:
0x5: {  	_ = 	snop;
	(pc) =	sbr.rel @p0 .LBB2_3-.Ltmp0, $4  }
0x6: {  	s1 =	rddreg [dreg:$0x0]  }
0x7: {  	s6 =	rddreg [dreg:$0x1]  }
0x8: {  	s3 =	rddreg [dreg:$0x2]  }
0x9: {  	s2 =	rddreg [dreg:$0x3];
	_ =	strace $0x80000047  }
0xa: {  	v0 =	vlaneseq.u32  }
0xb: {  	s7 =	ssub.s32 $0x2, s4;
	s4 =	sadd.s32 $0x1200, s6;
	s5 =	sadd.s32 $0x1600, s6;
	v1 =	vor.u32 $0x10, v0  }
0xc: {  	s6 =	sadd.s32 $0x1400, s6;
	s9 =	simm.s32 $0x1;
	s10 =	simm.s32 $0x1000;
	v63 =	vor.u32 $0x20, v0;
	[tilespmem:$0x1FFD0] =	vst v1  }
0xd: {  	s11 =	simm.s32 $0x2000;
	s12 =	simm.s32 $0x2080;
	s8 =	sshrl.u32 s7, $0x1;
	v0 =	vor.u32 $0x30, v0;
	[tilespmem:$0x1FFE0] =	vst v63  }
0xe: {  	s13 =	simm.s32 $0x2100;
	s7 =	ssub.s32 s7, s8;
	s8 =	simm.s32 $0x0;
	[tilespmem:$0x1FFF0] =	vst v0  }
.LBB2_2:
0xf: {  	[tilespmem:s8], [sflag:$0x1] =	stream.linear.gather [hbm4b:s1+s8], $0x1000, $0x38;
	[tilespmem:$0x2180] =	vst v63  }
0x10: {  	_ =	swait.ge [sflag:s9], $0x1000  }
0x11: {  	[sflag:s9] =	ssyncset.done $0x0  }
0x12: {  	[sflag:s9] =	ssyncadd.s32 $0xFFFFF000  }
0x13: {  	[tilespmem:s10], [sflag:$0x1] =	stream.linear.gather [hbm4b:s4+s8], $0x1000, $0x38;
	[tilespmem:$0x2180] =	vst v63  }
0x14: {  	_ =	swait.ge [sflag:s9], $0x1000  }
0x15: {  	[sflag:s9] =	ssyncset.done $0x0  }
0x16: {  	[sflag:s9] =	ssyncadd.s32 $0xFFFFF000  }
0x17: {  	v61 =	vld [tilespmem:$0x13B0];
	_ =	sdelay $0x4  }
0x18: {  	[tilespmem:$0x1FA50] =	vst v61;
	v61 =	vld [tilespmem:$0x400];
	_ =	sdelay $0x4  }
0x19: {  	[tilespmem:$0x1FA60] =	vst v61;
	v61 =	vld [tilespmem:$0x1400];
	_ =	sdelay $0x4  }
0x1a: {  	[tilespmem:$0x1FA70] =	vst v61;
	v61 =	vld [tilespmem:$0x410];
	_ =	sdelay $0x4  }
0x1b: {  	[tilespmem:$0x1FA80] =	vst v61;
	v61 =	vld [tilespmem:$0x1410];
	_ =	sdelay $0x4  }
0x1c: {  	[tilespmem:$0x1FA90] =	vst v61;
	v61 =	vld [tilespmem:$0x420];
	_ =	sdelay $0x4  }
0x1d: {  	[tilespmem:$0x1FAA0] =	vst v61;
	v61 =	vld [tilespmem:$0x1420];
	_ =	sdelay $0x4  }
0x1e: {  	[tilespmem:$0x1FAB0] =	vst v61;
	v61 =	vld [tilespmem:$0x430];
	_ =	sdelay $0x4  }
0x1f: {  	[tilespmem:$0x1FAC0] =	vst v61;
	v61 =	vld [tilespmem:$0x1430];
	_ =	sdelay $0x4  }
0x20: {  	[tilespmem:$0x1FAD0] =	vst v61;
	v61 =	vld [tilespmem:$0x480];
	_ =	sdelay $0x4  }
0x21: {  	[tilespmem:$0x1FAE0] =	vst v61;
	v61 =	vld [tilespmem:$0x1480];
	_ =	sdelay $0x4  }
0x22: {  	[tilespmem:$0x1FAF0] =	vst v61;
	v61 =	vld [tilespmem:$0x490];
	_ =	sdelay $0x4  }
0x23: {  	[tilespmem:$0x1FB00] =	vst v61;
	v61 =	vld [tilespmem:$0x1490];
	_ =	sdelay $0x4  }
0x24: {  	[tilespmem:$0x1FB10] =	vst v61;
	v61 =	vld [tilespmem:$0x4A0];
	_ =	sdelay $0x4  }
0x25: {  	[tilespmem:$0x1FB20] =	vst v61;
	v61 =	vld [tilespmem:$0x14A0];
	_ =	sdelay $0x4  }
0x26: {  	[tilespmem:$0x1FB30] =	vst v61;
	v61 =	vld [tilespmem:$0x4B0];
	_ =	sdelay $0x4  }
0x27: {  	[tilespmem:$0x1FB40] =	vst v61;
	v61 =	vld [tilespmem:$0x14B0];
	_ =	sdelay $0x4  }
0x28: {  	[tilespmem:$0x1FB50] =	vst v61;
	v61 =	vld [tilespmem:$0x500];
	_ =	sdelay $0x4  }
0x29: {  	[tilespmem:$0x1FB60] =	vst v61;
	v61 =	vld [tilespmem:$0x1500];
	_ =	sdelay $0x4  }
0x2a: {  	[tilespmem:$0x1FB70] =	vst v61;
	v61 =	vld [tilespmem:$0x510];
	_ =	sdelay $0x4  }
0x2b: {  	[tilespmem:$0x1FB80] =	vst v61;
	v61 =	vld [tilespmem:$0x1510];
	_ =	sdelay $0x4  }
0x2c: {  	[tilespmem:$0x1FB90] =	vst v61;
	v61 =	vld [tilespmem:$0x520];
	_ =	sdelay $0x4  }
0x2d: {  	[tilespmem:$0x1FBA0] =	vst v61;
	v61 =	vld [tilespmem:$0x1520];
	_ =	sdelay $0x1  }
0x2e: {  	v4 =	vld [tilespmem:$0x0]  }
0x2f: {  	v5 =	vld [tilespmem:$0x1000]  }
0x30: {  	v6 =	vld [tilespmem:$0x10]  }
0x31: {  	[tilespmem:$0x1FBB0] =	vst v61;
	v61 =	vld [tilespmem:$0x530]  }
0x32: {  	v7 =	vld [tilespmem:$0x1010]  }
0x33: {  	v12 =	vld [tilespmem:$0x20]  }
0x34: {  	v13 =	vld [tilespmem:$0x1020]  }
0x35: {  	v16 =	vld [tilespmem:$0x30]  }
0x36: {  	[tilespmem:$0x1FBC0] =	vst v61;
	v61 =	vld [tilespmem:$0x1530]  }
0x37: {  	v17 =	vld [tilespmem:$0x1030]  }
0x38: {  	v0 =	vld [tilespmem:$0x80]  }
0x39: {  	v1 =	vld [tilespmem:$0x1080]  }
0x3a: {  	v2 =	vld [tilespmem:$0x90]  }
0x3b: {  	[tilespmem:$0x1FBD0] =	vst v61;
	v61 =	vld [tilespmem:$0x580]  }
0x3c: {  	v3 =	vld [tilespmem:$0x1090]  }
0x3d: {  	v8 =	vld [tilespmem:$0xA0]  }
0x3e: {  	v9 =	vld [tilespmem:$0x10A0]  }
0x3f: {  	v10 =	vld [tilespmem:$0xB0]  }
0x40: {  	[tilespmem:$0x1FBE0] =	vst v61;
	v61 =	vld [tilespmem:$0x1580]  }
0x41: {  	v11 =	vld [tilespmem:$0x10B0]  }
0x42: {  	v14 =	vld [tilespmem:$0x100]  }
0x43: {  	v15 =	vld [tilespmem:$0x1100]  }
0x44: {  	v18 =	vld [tilespmem:$0x110]  }
0x45: {  	[tilespmem:$0x1FBF0] =	vst v61;
	v61 =	vld [tilespmem:$0x590]  }
0x46: {  	v19 =	vld [tilespmem:$0x1110]  }
0x47: {  	v20 =	vld [tilespmem:$0x120]  }
0x48: {  	v21 =	vld [tilespmem:$0x1120]  }
0x49: {  	v22 =	vld [tilespmem:$0x130]  }
0x4a: {  	[tilespmem:$0x1FC00] =	vst v61;
	v61 =	vld [tilespmem:$0x1590]  }
0x4b: {  	v23 =	vld [tilespmem:$0x1130]  }
0x4c: {  	v24 =	vld [tilespmem:$0x180]  }
0x4d: {  	v25 =	vld [tilespmem:$0x1180]  }
0x4e: {  	v62 =	vld [tilespmem:$0x190]  }
0x4f: {  	[tilespmem:$0x1FC10] =	vst v61;
	v61 =	vld [tilespmem:$0x5A0]  }
0x50: {  	v26 =	vld [tilespmem:$0x1190]  }
0x51: {  	v56 =	vld [tilespmem:$0x1A0]  }
0x52: {  	v27 =	vld [tilespmem:$0x11A0]  }
0x53: {  	v50 =	vld [tilespmem:$0x1B0]  }
0x54: {  	[tilespmem:$0x1FC20] =	vst v61;
	v61 =	vld [tilespmem:$0x15A0]  }
0x55: {  	v28 =	vld [tilespmem:$0x11B0]  }
0x56: {  	v47 =	vld [tilespmem:$0x200]  }
0x57: {  	v29 =	vld [tilespmem:$0x1200]  }
0x58: {  	v41 =	vld [tilespmem:$0x210]  }
0x59: {  	[tilespmem:$0x1FC30] =	vst v61;
	v61 =	vld [tilespmem:$0x5B0]  }
0x5a: {  	v30 =	vld [tilespmem:$0x1210]  }
0x5b: {  	v38 =	vld [tilespmem:$0x220]  }
0x5c: {  	v31 =	vld [tilespmem:$0x1220]  }
0x5d: {  	v32 =	vld [tilespmem:$0x230]  }
0x5e: {  	[tilespmem:$0x1FC40] =	vst v61;
	v61 =	vld [tilespmem:$0x15B0]  }
0x5f: {  	v33 =	vld [tilespmem:$0x1230]  }
0x60: {  	v35 =	vld [tilespmem:$0x280]  }
0x61: {  	v34 =	vld [tilespmem:$0x1280]  }
0x62: {  	v36 =	vld [tilespmem:$0x290]  }
0x63: {  	[tilespmem:$0x1FC50] =	vst v61;
	v61 =	vld [tilespmem:$0x600]  }
0x64: {  	v37 =	vld [tilespmem:$0x1290]  }
0x65: {  	v39 =	vld [tilespmem:$0x2A0]  }
0x66: {  	v40 =	vld [tilespmem:$0x12A0]  }
0x67: {  	v43 =	vld [tilespmem:$0x2B0]  }
0x68: {  	[tilespmem:$0x1FC60] =	vst v61;
	v61 =	vld [tilespmem:$0x1600]  }
0x69: {  	v42 =	vld [tilespmem:$0x12B0]  }
0x6a: {  	v45 =	vld [tilespmem:$0x300]  }
0x6b: {  	v44 =	vld [tilespmem:$0x1300]  }
0x6c: {  	v46 =	vld [tilespmem:$0x310]  }
0x6d: {  	[tilespmem:$0x1FC70] =	vst v61;
	v61 =	vld [tilespmem:$0x610]  }
0x6e: {  	v48 =	vld [tilespmem:$0x1310]  }
0x6f: {  	v51 =	vld [tilespmem:$0x320]  }
0x70: {  	v49 =	vld [tilespmem:$0x1320]  }
0x71: {  	v52 =	vld [tilespmem:$0x330]  }
0x72: {  	[tilespmem:$0x1FC80] =	vst v61;
	v61 =	vld [tilespmem:$0x1610]  }
0x73: {  	v53 =	vld [tilespmem:$0x1330]  }
0x74: {  	v54 =	vld [tilespmem:$0x380]  }
0x75: {  	v55 =	vld [tilespmem:$0x1380]  }
0x76: {  	v57 =	vld [tilespmem:$0x390]  }
0x77: {  	[tilespmem:$0x1FC90] =	vst v61;
	v61 =	vld [tilespmem:$0x620]  }
0x78: {  	v58 =	vld [tilespmem:$0x1390]  }
0x79: {  	v59 =	vld [tilespmem:$0x3A0]  }
0x7a: {  	v60 =	vld [tilespmem:$0x13A0];
	v4 =	vadd.f32 $0.0e+00, v4;
	v5 =	vadd.f32 $0.0e+00, v5  }
0x7b: {  	v63 =	vld [tilespmem:$0x3B0];
	v6 =	vadd.f32 $0.0e+00, v6;
	v7 =	vadd.f32 $0.0e+00, v7  }
0x7c: {  	v0 =	vadd.f32 v0, v4;
	v1 =	vadd.f32 v1, v5;
	[tilespmem:$0x1FCA0] =	vst v61;
	v61 =	vld [tilespmem:$0x1620]  }
0x7d: {  	v4 =	vld [tilespmem:$0x830];
	v2 =	vadd.f32 v2, v6;
	v5 =	vadd.f32 $0.0e+00, v13  }
0x7e: {  	v13 =	vld [tilespmem:$0x880];
	v6 =	vadd.f32 $0.0e+00, v16;
	v16 =	vadd.f32 $0.0e+00, v17  }
0x7f: {  	v17 =	vld [tilespmem:$0x1880]  }
0x80: {  	v3 =	vadd.f32 v3, v7;
	v7 =	vadd.f32 v11, v16;
	v16 =	vld [tilespmem:$0x1890]  }
0x81: {  	[tilespmem:$0x1FCB0] =	vst v61;
	v61 =	vld [tilespmem:$0x630]  }
0x82: {  	v5 =	vadd.f32 v9, v5;
	v3 =	vadd.f32 v19, v3;
	v19 =	vld [tilespmem:$0x18A0]  }
0x83: {  	v11 =	vld [tilespmem:$0x1A00]  }
0x84: {  	v5 =	vadd.f32 v21, v5;
	v21 =	vld [tilespmem:$0x8B0]  }
0x85: {  	v1 =	vadd.f32 v15, v1;
	v7 =	vadd.f32 v23, v7;
	v23 =	vld [tilespmem:$0x18B0]  }
0x86: {  	[tilespmem:$0x1FCC0] =	vst v61;
	v61 =	vld [tilespmem:$0x1630]  }
0x87: {  	v1 =	vadd.f32 v25, v1;
	v25 =	vld [tilespmem:$0x900]  }
0x88: {  	v3 =	vadd.f32 v26, v3;
	v26 =	vld [tilespmem:$0x1900]  }
0x89: {  	[tilespmem:$0x1FEB0] =	vst v4;
	v4 =	vld [tilespmem:$0x1830]  }
0x8a: {  	[tilespmem:$0x1FED0] =	vst v13;
	v13 =	vld [tilespmem:$0x890]  }
0x8b: {  	[tilespmem:$0x1FCD0] =	vst v61;
	v61 =	vld [tilespmem:$0x680]  }
0x8c: {  	[tilespmem:$0x1FEE0] =	vst v17;
	v17 =	vld [tilespmem:$0x8A0]  }
0x8d: {  	v5 =	vadd.f32 v27, v5;
	v27 =	vld [tilespmem:$0x910]  }
0x8e: {  	v2 =	vadd.f32 v18, v2;
	v7 =	vadd.f32 v28, v7;
	v28 =	vld [tilespmem:$0x1910]  }
0x8f: {  	v6 =	vadd.f32 v10, v6;
	v1 =	vadd.f32 v29, v1;
	v29 =	vld [tilespmem:$0x920]  }
0x90: {  	v0 =	vadd.f32 v14, v0;
	v2 =	vadd.f32 v62, v2;
	[tilespmem:$0x1FCE0] =	vst v61;
	v61 =	vld [tilespmem:$0x1680]  }
0x91: {  	v6 =	vadd.f32 v22, v6;
	v3 =	vadd.f32 v30, v3;
	v30 =	vld [tilespmem:$0x1920]  }
0x92: {  	v0 =	vadd.f32 v24, v0;
	v2 =	vadd.f32 v41, v2;
	v41 =	vld [tilespmem:$0x1930]  }
0x93: {  	v6 =	vadd.f32 v50, v6;
	v50 =	vld [tilespmem:$0x1980]  }
0x94: {  	v0 =	vadd.f32 v47, v0;
	v47 =	vld [tilespmem:$0x990]  }
0x95: {  	[tilespmem:$0x1FCF0] =	vst v61;
	v61 =	vld [tilespmem:$0x690]  }
0x96: {  	v6 =	vadd.f32 v32, v6;
	v32 =	vld [tilespmem:$0x19A0]  }
0x97: {  	[tilespmem:$0x1FF60] =	vst v26;
	v26 =	vld [tilespmem:$0x9B0]  }
0x98: {  	v5 =	vadd.f32 v31, v5;
	v31 =	vld [tilespmem:$0x1FA70]  }
0x99: {  	v3 =	vadd.f32 v37, v3;
	[tilespmem:$0x1FF10] =	vst v17;
	v17 =	vld [tilespmem:$0xA00]  }
0x9a: {  	v0 =	vadd.f32 v35, v0;
	v2 =	vadd.f32 v36, v2;
	[tilespmem:$0x1FD00] =	vst v61;
	v61 =	vld [tilespmem:$0x1690]  }
0x9b: {  	v1 =	vadd.f32 v34, v1;
	v48 =	vadd.f32 v48, v3;
	v3 =	vld [tilespmem:$0x1C90]  }
0x9c: {  	v6 =	vadd.f32 v43, v6;
	v46 =	vadd.f32 v46, v2;
	v2 =	vld [tilespmem:$0xCA0]  }
0x9d: {  	v43 =	vadd.f32 v45, v0;
	v45 =	vadd.f32 v44, v1;
	v1 =	vld [tilespmem:$0x1CA0]  }
0x9e: {  	[tilespmem:$0x1FEC0] =	vst v4;
	v0 =	vld [tilespmem:$0xCB0]  }
0x9f: {  	[tilespmem:$0x1FD10] =	vst v61;
	v61 =	vld [tilespmem:$0x6A0]  }
0xa0: {  	[tilespmem:$0x1FFC0] =	vst v41;
	v41 =	vld [tilespmem:$0x1990]  }
0xa1: {  	v4 =	vadd.f32 $0.0e+00, v12;
	[tilespmem:$0x1FF70] =	vst v27;
	v27 =	vld [tilespmem:$0x1FA50]  }
0xa2: {  	[tilespmem:$0x1FF90] =	vst v29;
	v29 =	vld [tilespmem:$0x1FA60]  }
0xa3: {  	v4 =	vadd.f32 v8, v4;
	v8 =	vld [tilespmem:$0xA10]  }
0xa4: {  	v6 =	vadd.f32 v52, v6;
	[tilespmem:$0x1FD20] =	vst v61;
	v61 =	vld [tilespmem:$0x16A0]  }
0xa5: {  	v7 =	vadd.f32 v33, v7;
	v4 =	vadd.f32 v20, v4;
	v20 =	vld [tilespmem:$0x19B0]  }
0xa6: {  	v10 =	vadd.f32 v55, v45;
	v63 =	vadd.f32 v63, v6;
	v6 =	vld [tilespmem:$0x1A10]  }
0xa7: {  	v7 =	vadd.f32 v42, v7;
	v34 =	vld [tilespmem:$0x1FA80]  }
0xa8: {  	v33 =	vadd.f32 v31, v10;
	v10 =	vld [tilespmem:$0xA30]  }
0xa9: {  	v7 =	vadd.f32 v53, v7;
	[tilespmem:$0x1FD30] =	vst v61;
	v61 =	vld [tilespmem:$0x6B0]  }
0xaa: {  	v9 =	vadd.f32 v54, v43;
	v4 =	vadd.f32 v56, v4;
	v56 =	vld [tilespmem:$0x980]  }
0xab: {  	[tilespmem:$0x1FF80] =	vst v28;
	v28 =	vadd.f32 v27, v7;
	v7 =	vld [tilespmem:$0xA20]  }
0xac: {  	[tilespmem:$0x1FFA0] =	vst v30;
	v30 =	vadd.f32 v29, v9;
	v9 =	vld [tilespmem:$0x1A20]  }
0xad: {  	v4 =	vadd.f32 v38, v4;
	v38 =	vld [tilespmem:$0x930]  }
0xae: {  	v12 =	vadd.f32 v57, v46;
	[tilespmem:$0x1FD40] =	vst v61;
	v61 =	vld [tilespmem:$0x16B0]  }
0xaf: {  	v36 =	vld [tilespmem:$0x1FA90]  }
0xb0: {  	v35 =	vadd.f32 v34, v12;
	v12 =	vld [tilespmem:$0x1A30]  }
0xb1: {  	v34 =	vld [tilespmem:$0x1B00];
	v4 =	vadd.f32 v39, v4  }
0xb2: {  	[tilespmem:$0x1FEF0] =	vst v13;
	v39 =	vld [tilespmem:$0x1FAA0]  }
0xb3: {  	v13 =	vadd.f32 v58, v48;
	v51 =	vadd.f32 v51, v4;
	[tilespmem:$0x1FD50] =	vst v61;
	v61 =	vld [tilespmem:$0x700]  }
0xb4: {  	[tilespmem:$0x1FFB0] =	vst v38;
	v38 =	vld [tilespmem:$0x9A0]  }
0xb5: {  	v14 =	vadd.f32 v59, v51;
	v37 =	vadd.f32 v36, v13;
	v13 =	vld [tilespmem:$0xA80]  }
0xb6: {  	v42 =	vld [tilespmem:$0x1FAB0]  }
0xb7: {  	v5 =	vadd.f32 v40, v5;
	v40 =	vadd.f32 v39, v14;
	v14 =	vld [tilespmem:$0x1A80]  }
0xb8: {  	[tilespmem:$0x1FD60] =	vst v61;
	v61 =	vld [tilespmem:$0x1700]  }
0xb9: {  	v43 =	vld [tilespmem:$0x1FAC0]  }
0xba: {  	v44 =	vld [tilespmem:$0x1FAD0]  }
0xbb: {  	v45 =	vld [tilespmem:$0x1FAE0]  }
0xbc: {  	v46 =	vld [tilespmem:$0x1FAF0]  }
0xbd: {  	[tilespmem:$0x1FD70] =	vst v61;
	v61 =	vld [tilespmem:$0x710]  }
0xbe: {  	v48 =	vld [tilespmem:$0x1FB00]  }
0xbf: {  	v5 =	vadd.f32 v49, v5;
	v49 =	vld [tilespmem:$0x1FB10]  }
0xc0: {  	v52 =	vld [tilespmem:$0x1FB30]  }
0xc1: {  	v62 =	vadd.f32 v60, v5;
	v54 =	vld [tilespmem:$0x1FB40]  }
0xc2: {  	[tilespmem:$0x1FD80] =	vst v61;
	v61 =	vld [tilespmem:$0x1710]  }
0xc3: {  	v15 =	vadd.f32 v42, v62;
	v51 =	vld [tilespmem:$0x1FB20]  }
0xc4: {  	[tilespmem:$0x1FF00] =	vst v16;
	v16 =	vadd.f32 v43, v63;
	v57 =	vld [tilespmem:$0x1FB50]  }
0xc5: {  	v53 =	vadd.f32 v52, v15;
	v15 =	vld [tilespmem:$0xA90]  }
0xc6: {  	v55 =	vadd.f32 v54, v16;
	v16 =	vld [tilespmem:$0x1A90]  }
0xc7: {  	v18 =	vadd.f32 v44, v28;
	[tilespmem:$0x1FD90] =	vst v61;
	v61 =	vld [tilespmem:$0x720]  }
0xc8: {  	v59 =	vld [tilespmem:$0x1FB60]  }
0xc9: {  	v58 =	vadd.f32 v57, v18;
	v18 =	vld [tilespmem:$0xAA0]  }
0xca: {  	v62 =	vld [tilespmem:$0x1FB70]  }
0xcb: {  	[tilespmem:$0x1FF20] =	vst v19;
	v19 =	vadd.f32 v45, v30;
	v4 =	vld [tilespmem:$0x1FB80]  }
0xcc: {  	[tilespmem:$0x1FDA0] =	vst v61;
	v61 =	vld [tilespmem:$0x1720]  }
0xcd: {  	[tilespmem:$0x1FF30] =	vst v21;
	v21 =	vadd.f32 v46, v33;
	v60 =	vadd.f32 v59, v19;
	v19 =	vld [tilespmem:$0x1AA0]  }
0xce: {  	v22 =	vadd.f32 v48, v35;
	v35 =	vld [tilespmem:$0x1FB90]  }
0xcf: {  	v63 =	vadd.f32 v62, v21;
	v21 =	vld [tilespmem:$0xAB0]  }
0xd0: {  	[tilespmem:$0x1FF40] =	vst v23;
	v5 =	vadd.f32 v4, v22;
	v22 =	vld [tilespmem:$0x1AB0]  }
0xd1: {  	v23 =	vadd.f32 v49, v37;
	[tilespmem:$0x1FDB0] =	vst v61;
	v61 =	vld [tilespmem:$0x730]  }
0xd2: {  	v37 =	vld [tilespmem:$0x1FBA0]  }
0xd3: {  	v36 =	vadd.f32 v35, v23;
	v23 =	vld [tilespmem:$0xB00]  }
0xd4: {  	v35 =	vld [tilespmem:$0xB10]  }
0xd5: {  	v39 =	vld [tilespmem:$0x1FBB0]  }
0xd6: {  	v24 =	vadd.f32 v51, v40;
	[tilespmem:$0x1FDC0] =	vst v61;
	v61 =	vld [tilespmem:$0x1730]  }
0xd7: {  	v40 =	vld [tilespmem:$0x1FBC0]  }
0xd8: {  	v24 =	vadd.f32 v37, v24;
	v37 =	vld [tilespmem:$0xB20]  }
0xd9: {  	v42 =	vld [tilespmem:$0x1FBD0]  }
0xda: {  	[tilespmem:$0x1FF50] =	vst v25;
	v25 =	vadd.f32 v39, v53;
	v39 =	vld [tilespmem:$0x1B20]  }
0xdb: {  	[tilespmem:$0x1FDD0] =	vst v61;
	v61 =	vld [tilespmem:$0x780]  }
0xdc: {  	v27 =	vadd.f32 v40, v55;
	v40 =	vld [tilespmem:$0xB30]  }
0xdd: {  	v43 =	vld [tilespmem:$0x1FBE0]  }
0xde: {  	v28 =	vadd.f32 v42, v58;
	v42 =	vld [tilespmem:$0x1B30]  }
0xdf: {  	v44 =	vld [tilespmem:$0x1FBF0]  }
0xe0: {  	[tilespmem:$0x1FDE0] =	vst v61;
	v61 =	vld [tilespmem:$0x1780]  }
0xe1: {  	v46 =	vld [tilespmem:$0x1FC10]  }
0xe2: {  	v29 =	vadd.f32 v43, v60;
	v43 =	vld [tilespmem:$0xB80]  }
0xe3: {  	v45 =	vld [tilespmem:$0x1FC00]  }
0xe4: {  	v48 =	vld [tilespmem:$0x1FC20]  }
0xe5: {  	[tilespmem:$0x1FDF0] =	vst v61;
	v61 =	vld [tilespmem:$0x790]  }
0xe6: {  	v33 =	vadd.f32 v46, v36;
	v36 =	vld [tilespmem:$0x1B10]  }
0xe7: {  	v49 =	vld [tilespmem:$0x1FC30]  }
0xe8: {  	v51 =	vld [tilespmem:$0x1FC40]  }
0xe9: {  	v52 =	vld [tilespmem:$0x1FC50]  }
0xea: {  	[tilespmem:$0x1FE00] =	vst v61;
	v61 =	vld [tilespmem:$0x1790]  }
0xeb: {  	v53 =	vld [tilespmem:$0x1FC60]  }
0xec: {  	v54 =	vld [tilespmem:$0x1FC70]  }
0xed: {  	v55 =	vld [tilespmem:$0x1FC80]  }
0xee: {  	v57 =	vld [tilespmem:$0x1FC90]  }
0xef: {  	[tilespmem:$0x1FE10] =	vst v61;
	v61 =	vld [tilespmem:$0x7A0]  }
0xf0: {  	v58 =	vld [tilespmem:$0x1FCA0]  }
0xf1: {  	v59 =	vld [tilespmem:$0x1FCB0]  }
0xf2: {  	v60 =	vld [tilespmem:$0x1FCC0]  }
0xf3: {  	v62 =	vld [tilespmem:$0x1FCD0]  }
0xf4: {  	[tilespmem:$0x1FE20] =	vst v61;
	v61 =	vld [tilespmem:$0x17A0]  }
0xf5: {  	v30 =	vadd.f32 v44, v63;
	v63 =	vld [tilespmem:$0x1FCE0]  }
0xf6: {  	v44 =	vld [tilespmem:$0x1FD10]  }
0xf7: {  	v4 =	vld [tilespmem:$0x1FCF0]  }
0xf8: {  	v31 =	vadd.f32 v45, v5;
	v5 =	vld [tilespmem:$0x1FD00]  }
0xf9: {  	v33 =	vadd.f32 v57, v33;
	[tilespmem:$0x1FE30] =	vst v61;
	v61 =	vld [tilespmem:$0x7B0]  }
0xfa: {  	v45 =	vld [tilespmem:$0x1FD20]  }
0xfb: {  	v24 =	vadd.f32 v48, v24;
	v33 =	vadd.f32 v44, v33;
	v44 =	vld [tilespmem:$0x1B80]  }
0xfc: {  	v46 =	vld [tilespmem:$0x1FD30]  }
0xfd: {  	v25 =	vadd.f32 v49, v25;
	v24 =	vadd.f32 v58, v24;
	v48 =	vld [tilespmem:$0x1FD40]  }
0xfe: {  	v27 =	vadd.f32 v51, v27;
	[tilespmem:$0x1FE40] =	vst v61;
	v61 =	vld [tilespmem:$0x17B0]  }
0xff: {  	v25 =	vadd.f32 v59, v25;
	v24 =	vadd.f32 v45, v24;
	v45 =	vld [tilespmem:$0xB90]  }
0x100: {  	v27 =	vadd.f32 v60, v27;
	v49 =	vld [tilespmem:$0x1FD50]  }
0x101: {  	v28 =	vadd.f32 v52, v28;
	v25 =	vadd.f32 v46, v25;
	v46 =	vld [tilespmem:$0x1B90]  }
0x102: {  	v27 =	vadd.f32 v48, v27;
	v48 =	vld [tilespmem:$0xBA0]  }
0x103: {  	v28 =	vadd.f32 v62, v28;
	[tilespmem:$0x1FE50] =	vst v61;
	v61 =	vld [tilespmem:$0x800]  }
0x104: {  	v51 =	vld [tilespmem:$0x1FD60]  }
0x105: {  	v29 =	vadd.f32 v53, v29;
	v28 =	vadd.f32 v49, v28;
	v49 =	vld [tilespmem:$0x1BA0]  }
0x106: {  	v52 =	vld [tilespmem:$0x1FD70]  }
0x107: {  	v30 =	vadd.f32 v54, v30;
	v29 =	vadd.f32 v63, v29;
	v53 =	vld [tilespmem:$0x1FD80]  }
0x108: {  	v31 =	vadd.f32 v55, v31;
	[tilespmem:$0x1FE60] =	vst v61;
	v61 =	vld [tilespmem:$0x1800]  }
0x109: {  	v30 =	vadd.f32 v4, v30;
	v29 =	vadd.f32 v51, v29;
	v51 =	vld [tilespmem:$0xBB0]  }
0x10a: {  	v31 =	vadd.f32 v5, v31;
	v54 =	vld [tilespmem:$0x1FD90]  }
0x10b: {  	v30 =	vadd.f32 v52, v30;
	v52 =	vld [tilespmem:$0x1BB0]  }
0x10c: {  	v31 =	vadd.f32 v53, v31;
	v53 =	vld [tilespmem:$0xC00]  }
0x10d: {  	[tilespmem:$0x1FE70] =	vst v61;
	v61 =	vld [tilespmem:$0x810]  }
0x10e: {  	v55 =	vld [tilespmem:$0x1FDA0]  }
0x10f: {  	v33 =	vadd.f32 v54, v33;
	v54 =	vld [tilespmem:$0x1C00]  }
0x110: {  	v62 =	vld [tilespmem:$0x1FDF0]  }
0x111: {  	v59 =	vld [tilespmem:$0x1FDD0]  }
0x112: {  	[tilespmem:$0x1FE80] =	vst v61;
	v61 =	vld [tilespmem:$0x1810]  }
0x113: {  	v63 =	vld [tilespmem:$0x1FE00]  }
0x114: {  	v60 =	vld [tilespmem:$0x1FDE0]  }
0x115: {  	v30 =	vadd.f32 v62, v30;
	v62 =	vld [tilespmem:$0x1FE80]  }
0x116: {  	v4 =	vld [tilespmem:$0x1FE10]  }
0x117: {  	[tilespmem:$0x1FE90] =	vst v61;
	v61 =	vld [tilespmem:$0x820]  }
0x118: {  	v28 =	vadd.f32 v59, v28;
	v31 =	vadd.f32 v63, v31;
	v59 =	vld [tilespmem:$0x1FE60]  }
0x119: {  	v57 =	vld [tilespmem:$0x1FDB0]  }
0x11a: {  	v31 =	vadd.f32 v62, v31;
	v62 =	vld [tilespmem:$0x1FED0]  }
0x11b: {  	v29 =	vadd.f32 v60, v29;
	v5 =	vld [tilespmem:$0x1FE20]  }
0x11c: {  	v58 =	vld [tilespmem:$0x1FDC0];
	[tilespmem:$0x1FEA0] =	vst v61  }
0x11d: {  	v33 =	vadd.f32 v4, v33;
	v29 =	vadd.f32 v59, v29;
	v4 =	vld [tilespmem:$0x1FEA0]  }
0x11e: {  	v24 =	vadd.f32 v55, v24;
	v55 =	vld [tilespmem:$0x1FE30]  }
0x11f: {  	v29 =	vadd.f32 v62, v29;
	v62 =	vld [tilespmem:$0x1FF10]  }
0x120: {  	v25 =	vadd.f32 v57, v25;
	v24 =	vadd.f32 v5, v24;
	v57 =	vld [tilespmem:$0x1FE40]  }
0x121: {  	v5 =	vld [tilespmem:$0x1FEB0]  }
0x122: {  	v61 =	vld [tilespmem:$0x1820];
	v24 =	vadd.f32 v4, v24  }
0x123: {  	v27 =	vadd.f32 v58, v27;
	v25 =	vadd.f32 v55, v25;
	v55 =	vld [tilespmem:$0xC10]  }
0x124: {  	v24 =	vadd.f32 v62, v24;
	v62 =	vld [tilespmem:$0x1FF30]  }
0x125: {  	v27 =	vadd.f32 v57, v27;
	v58 =	vld [tilespmem:$0x1FE50]  }
0x126: {  	v57 =	vld [tilespmem:$0x1C10]  }
0x127: {  	v27 =	vadd.f32 v5, v27;
	v25 =	vadd.f32 v61, v25;
	v61 =	vld [tilespmem:$0x1FEC0]  }
0x128: {  	v5 =	vld [tilespmem:$0x1FF00]  }
0x129: {  	v27 =	vadd.f32 v62, v27;
	v62 =	vld [tilespmem:$0x1FF40]  }
0x12a: {  	v28 =	vadd.f32 v58, v28;
	v58 =	vld [tilespmem:$0xC20]  }
0x12b: {  	v63 =	vld [tilespmem:$0x1FE90]  }
0x12c: {  	v60 =	vld [tilespmem:$0x1FE70];
	v28 =	vadd.f32 v61, v28  }
0x12d: {  	v4 =	vld [tilespmem:$0x1FEF0]  }
0x12e: {  	v28 =	vadd.f32 v62, v28;
	v62 =	vld [tilespmem:$0x1FF50]  }
0x12f: {  	v59 =	vld [tilespmem:$0x1C20]  }
0x130: {  	v33 =	vadd.f32 v63, v33;
	v63 =	vld [tilespmem:$0x1FEE0]  }
0x131: {  	v30 =	vadd.f32 v60, v30;
	v60 =	vld [tilespmem:$0xC30]  }
0x132: {  	v31 =	vadd.f32 v4, v31;
	v4 =	vld [tilespmem:$0x1FF20]  }
0x133: {  	v29 =	vadd.f32 v62, v29;
	v62 =	vld [tilespmem:$0x1FF60]  }
0x134: {  	v33 =	vadd.f32 v5, v33;
	v5 =	vld [tilespmem:$0x1C80]  }
0x135: {  	v30 =	vadd.f32 v63, v30;
	v63 =	vld [tilespmem:$0xC80]  }
0x136: {  	v61 =	vld [tilespmem:$0x1C30];
	v29 =	vadd.f32 v56, v29  }
0x137: {  	v25 =	vadd.f32 v4, v25;
	v4 =	vld [tilespmem:$0xC90]  }
0x138: {  	v17 =	vadd.f32 v17, v29;
	v30 =	vadd.f32 v62, v30;
	v62 =	vld [tilespmem:$0x1FF70]  }
0x139: {  	v56 =	vld [tilespmem:$0xD00]  }
0x13a: {  	v29 =	vld [tilespmem:$0x1D20];
	v13 =	vadd.f32 v13, v17;
	v30 =	vadd.f32 v50, v30  }
0x13b: {  	v17 =	vld [tilespmem:$0x1D90]  }
0x13c: {  	v13 =	vadd.f32 v23, v13;
	v11 =	vadd.f32 v11, v30;
	v30 =	vld [tilespmem:$0xF30]  }
0x13d: {  	v31 =	vadd.f32 v62, v31;
	v62 =	vld [tilespmem:$0x1FF80]  }
0x13e: {  	v13 =	vadd.f32 v43, v13;
	v43 =	vld [tilespmem:$0x1E00]  }
0x13f: {  	v11 =	vadd.f32 v14, v11;
	v14 =	vld [tilespmem:$0xD80]  }
0x140: {  	v31 =	vadd.f32 v47, v31;
	v47 =	vld [tilespmem:$0x1E20]  }
0x141: {  	v13 =	vadd.f32 v53, v13;
	v53 =	vld [tilespmem:$0xE90];
	v11 =	vadd.f32 v34, v11  }
0x142: {  	v8 =	vadd.f32 v8, v31;
	v33 =	vadd.f32 v62, v33;
	v62 =	vld [tilespmem:$0x1FF90]  }
0x143: {  	v34 =	vld [tilespmem:$0xF90];
	v13 =	vadd.f32 v63, v13  }
0x144: {  	v63 =	vld [tilespmem:$0xF10];
	v11 =	vadd.f32 v44, v11;
	v8 =	vadd.f32 v15, v8  }
0x145: {  	v31 =	vld [tilespmem:$0x1F30];
	v33 =	vadd.f32 v41, v33  }
0x146: {  	v41 =	vld [tilespmem:$0x1D00];
	v11 =	vadd.f32 v54, v11;
	v8 =	vadd.f32 v35, v8  }
0x147: {  	v6 =	vadd.f32 v6, v33;
	v24 =	vadd.f32 v62, v24;
	v62 =	vld [tilespmem:$0x1FFA0]  }
0x148: {  	v15 =	vld [tilespmem:$0x1D80];
	v56 =	vadd.f32 v56, v13;
	v8 =	vadd.f32 v45, v8  }
0x149: {  	v44 =	vld [tilespmem:$0xE10];
	v5 =	vadd.f32 v5, v11;
	v6 =	vadd.f32 v16, v6  }
0x14a: {  	v35 =	vld [tilespmem:$0x1F90];
	v24 =	vadd.f32 v38, v24;
	v8 =	vadd.f32 v55, v8  }
0x14b: {  	v33 =	vld [tilespmem:$0x1F80];
	v5 =	vadd.f32 v41, v5;
	v6 =	vadd.f32 v36, v6  }
0x14c: {  	v7 =	vadd.f32 v7, v24;
	v25 =	vadd.f32 v62, v25;
	v62 =	vld [tilespmem:$0x1FFB0]  }
0x14d: {  	v45 =	vld [tilespmem:$0x1E10];
	v4 =	vadd.f32 v4, v8;
	v5 =	vadd.f32 v15, v5  }
0x14e: {  	v16 =	vld [tilespmem:$0xD90];
	v6 =	vadd.f32 v46, v6;
	v7 =	vadd.f32 v18, v7  }
0x14f: {  	v5 =	vadd.f32 v43, v5;
	v25 =	vadd.f32 v32, v25;
	v32 =	vld [tilespmem:$0xD10]  }
0x150: {  	v38 =	vld [tilespmem:$0x1DA0];
	v6 =	vadd.f32 v57, v6;
	v7 =	vadd.f32 v37, v7  }
0x151: {  	v55 =	vld [tilespmem:$0x1E90];
	v9 =	vadd.f32 v9, v25;
	v27 =	vadd.f32 v62, v27  }
0x152: {  	v3 =	vadd.f32 v3, v6;
	v62 =	vld [tilespmem:$0x1FFC0];
	v7 =	vadd.f32 v48, v7  }
0x153: {  	v36 =	vld [tilespmem:$0xFA0];
	v9 =	vadd.f32 v19, v9;
	v26 =	vadd.f32 v26, v27  }
0x154: {  	v24 =	vld [tilespmem:$0xD30];
	v7 =	vadd.f32 v58, v7;
	v4 =	vadd.f32 v32, v4  }
0x155: {  	v27 =	vld [tilespmem:$0x1D10];
	v9 =	vadd.f32 v39, v9;
	v10 =	vadd.f32 v10, v26  }
0x156: {  	v46 =	vld [tilespmem:$0xE20];
	v2 =	vadd.f32 v2, v7;
	v4 =	vadd.f32 v16, v4  }
0x157: {  	v18 =	vld [tilespmem:$0xDA0];
	v28 =	vadd.f32 v62, v28;
	v9 =	vadd.f32 v49, v9  }
0x158: {  	v57 =	vld [tilespmem:$0xEA0];
	v10 =	vadd.f32 v21, v10;
	v4 =	vadd.f32 v44, v4  }
0x159: {  	v48 =	vld [tilespmem:$0xE30];
	v20 =	vadd.f32 v20, v28;
	v9 =	vadd.f32 v59, v9  }
0x15a: {  	v58 =	vld [tilespmem:$0x1EA0];
	v3 =	vadd.f32 v27, v3;
	v10 =	vadd.f32 v40, v10  }
0x15b: {  	v28 =	vld [tilespmem:$0xD20];
	v4 =	vadd.f32 v53, v4;
	v12 =	vadd.f32 v12, v20  }
0x15c: {  	v39 =	vld [tilespmem:$0xDB0];
	v1 =	vadd.f32 v1, v9;
	v3 =	vadd.f32 v17, v3  }
0x15d: {  	v62 =	vld [tilespmem:$0x1CB0];
	v10 =	vadd.f32 v51, v10;
	v4 =	vadd.f32 v63, v4  }
0x15e: {  	v49 =	vld [tilespmem:$0x1E30];
	v12 =	vadd.f32 v22, v12;
	v1 =	vadd.f32 v29, v1  }
0x15f: {  	v59 =	vld [tilespmem:$0xEB0];
	v3 =	vadd.f32 v45, v3;
	v10 =	vadd.f32 v60, v10  }
0x160: {  	v40 =	vld [tilespmem:$0x1DB0];
	v2 =	vadd.f32 v28, v2;
	v4 =	vadd.f32 v34, v4  }
0x161: {  	v20 =	vld [tilespmem:$0x1D30];
	v12 =	vadd.f32 v42, v12;
	v1 =	vadd.f32 v38, v1  }
0x162: {  	v51 =	vld [tilespmem:$0xE80];
	v3 =	vadd.f32 v55, v3;
	v0 =	vadd.f32 v0, v10  }
0x163: {  	v42 =	vld [tilespmem:$0xE00];
	v10 =	vadd.f32 v14, v56;
	v12 =	vadd.f32 v52, v12  }
0x164: {  	v29 =	vld [tilespmem:$0x1F20];
	v2 =	vadd.f32 v18, v2;
	v1 =	vadd.f32 v47, v1  }
0x165: {  	v28 =	vld [tilespmem:$0xF20];
	v0 =	vadd.f32 v24, v0;
	v12 =	vadd.f32 v61, v12  }
0x166: {  	v52 =	vld [tilespmem:$0x1E80];
	v2 =	vadd.f32 v46, v2;
	v1 =	vadd.f32 v58, v1  }
0x167: {  	v24 =	vld [tilespmem:$0x1F10];
	v0 =	vadd.f32 v39, v0;
	v54 =	vadd.f32 v62, v12  }
0x168: {  	v61 =	vld [tilespmem:$0xF00];
	v10 =	vadd.f32 v42, v10;
	v2 =	vadd.f32 v57, v2  }
0x169: {  	v62 =	vld [tilespmem:$0x1F00];
	v1 =	vadd.f32 v29, v1;
	v8 =	vadd.f32 v20, v54  }
0x16a: {  	v60 =	vld [tilespmem:$0x1EB0];
	v0 =	vadd.f32 v48, v0;
	v10 =	vadd.f32 v51, v10  }
0x16b: {  	v32 =	vld [tilespmem:$0xF80];
	v5 =	vadd.f32 v52, v5;
	v8 =	vadd.f32 v40, v8  }
0x16c: {  	v37 =	vld [tilespmem:$0x1FA0];
	v2 =	vadd.f32 v28, v2;
	v3 =	vadd.f32 v24, v3  }
0x16d: {  	v38 =	vld [tilespmem:$0xFB0];
	v0 =	vadd.f32 v59, v0;
	v8 =	vadd.f32 v49, v8  }
0x16e: {  	v39 =	vld [tilespmem:$0x1FB0];
	v10 =	vadd.f32 v61, v10;
	v5 =	vadd.f32 v62, v5  }
0x16f: {  	v3 =	vadd.f32 v35, v3;
	v8 =	vadd.f32 v60, v8  }
0x170: {  	v6 =	vadd.f32 v32, v10;
	v5 =	vadd.f32 v33, v5  }
0x171: {  	v0 =	vadd.f32 v30, v0;
	v8 =	vadd.f32 v31, v8  }
0x172: {  	v1 =	vadd.f32 v37, v1;
	v2 =	vadd.f32 v36, v2;
	v6 =	vmul.f32 v5, v6  }
0x173: {  	v4 =	vmul.f32 v3, v4;
	v0 =	vadd.f32 v38, v0;
	v40 =	vadd.f32 v39, v8  }
0x174: {  	v2 =	vmul.f32 v1, v2;
	(xrf2) =	vadd.scan.msk.f32 $0xffff, v6  }
0x175: {  	(xrf2) =	vadd.scan.msk.f32 $0xffff, v4;
	v0 =	vmul.f32 v40, v0  }
0x176: {  	(xrf2) =	vadd.scan.msk.f32 $0xffff, v2  }
0x177: {  	(xrf2) =	vadd.scan.msk.f32 $0xffff, v0;
	_ =	sdelay $0x2  }
0x178: {  	v42 =	vimm.s32 $0x0;
	vm0 =	vgt.f32 v5, $0.0e+00  }
0x179: {  	vm1 =	vgt.f32 v3, $0.0e+00;
	v43 =	vsel vm0, $0x1, v42  }
0x17a: {  	vm2 =	vgt.f32 v1, $0.0e+00;
	v45 =	vsel vm1, $0x1, v42;
	(xrf0) =	vadd.scan.msk.s32 $0xffff, v43  }
0x17b: {  	v46 =	vsel vm2, $0x1, v42;
	(xrf0) =	vadd.scan.msk.s32 $0xffff, v45  }
0x17c: {  	(xrf0) =	vadd.scan.msk.s32 $0xffff, v46;
	v41, _, _ =	vpop (xrf2)  }
0x17d: {  	(v2sf) =	vpush v41, $0xF;
	v44, _, _ =	vpop (xrf2)  }
0x17e: {  	(v2sf) =	vpush v44, $0xF;
	v47, _, _ =	vpop (xrf2)  }
0x17f: {  	(v2sf) =	vpush v47, $0xF;
	v48, _, _ =	vpop (xrf2)  }
0x180: {  	v49, _, _ =	vpop (xrf0);
	(v2sf) =	vpush v48, $0xF  }
0x181: {  	v50, _, _ =	vpop (xrf0);
	(v2sf) =	vpush v49, $0xF  }
0x182: {  	v51, _, _ =	vpop (xrf0);
	(v2sf) =	vpush v50, $0xF  }
0x183: {  	vm3 =	vgt.f32 v40, $0.0e+00;
	(v2sf) =	vpush v51, $0xF  }
0x184: {  	v52 =	vsel vm3, $0x1, v42  }
0x185: {  	(xrf0) =	vadd.scan.msk.s32 $0xffff, v52;
	_ =	sdelay $0x5  }
0x186: {  	v3, _, _ =	vpop (xrf0)  }
0x187: {  	s14 =	spop (v2sf);
	(v2sf) =	vpush v3, $0xF  }
0x188: {  	s15 =	spop (v2sf)  }
0x189: {  	s14 =	sadd.f32 $0.0e+00, s14;
	s25 =	spop (v2sf)  }
0x18a: {  	s26 =	spop (v2sf)  }
0x18b: {  	s14 =	sadd.f32 s15, s14;
	s28 =	spop (v2sf)  }
0x18c: {  	s16 =	spop (v2sf)  }
0x18d: {  	s14 =	sadd.f32 s25, s14;
	s15 =	sadd.s32 s28, s16;
	s29 =	spop (v2sf)  }
0x18e: {  	v0 =	vadd.s32 $0xFFFFFFFF, v49;
	v54 =	vmov s15;
	s30 =	sadd.s32 s15, s29  }
0x18f: {  	v55 =	vbroadcast v0, $0xF;
	s14 =	sadd.f32 s26, s14;
	v5 =	vadd.s32 $0xFFFFFFFF, v54;
	v56 =	vmov s30  }
0x190: {  	[tilespmem:$0x2000] =	vst v42;
	v57 =	vbroadcast v5, $0x0;
	v58 =	vadd.s32 $0xFFFFFFFF, v56  }
0x191: {  	[tilespmem:$0x2010] =	vst v42;
	v60 =	vld [tilespmem:$0x1FFD0];
	v1 =	vadd.s32 v50, v55;
	s14 =	smul.f32 $6.250000300e-05, s14;
	v5 =	vbroadcast v58, $0x0  }
0x192: {  	[tilespmem:$0x2020] =	vst v42;
	v61 =	vld [tilespmem:$0x1FFE0];
	v2 =	vadd.s32 v51, v57  }
0x193: {  	[tilespmem:$0x2030] =	vst v42;
	v62 =	vld [tilespmem:$0x1FFF0];
	v53 =	vmov s14;
	v3 =	vadd.s32 v3, v5  }
0x194: {  	v59 =	vlaneseq.u32;
	[tilespmem:$0x2100] =	vst v53  }
0x195: {  	[tilespmem:v0+s11+$0x0] =	vst.idx.msk vm0, v59  }
0x196: {  	[tilespmem:v1+s11+$0x0] =	vst.idx.msk vm1, v60;
	s31 =	spop (v2sf)  }
0x197: {  	s14 =	sadd.s32 s30, s31;
	[tilespmem:v2+s11+$0x0] =	vst.idx.msk vm2, v61  }
0x198: {  	v63 =	vmov s14;
	[tilespmem:v3+s11+$0x0] =	vst.idx.msk vm3, v62  }
0x199: {  	[tilespmem:$0x2080] =	vst v63  }
0x19a: {  	[hbm4b:s5+s8] =	stream.linear.scatter [tilespmem:s11], [sflag:$0x1], $0x80, $0x38;
	[tilespmem:$0x2180] =	vst v63  }
0x19b: {  	_ =	swait.ge [sflag:s9], $0x80  }
0x19c: {  	[sflag:s9] =	ssyncset.done $0x0  }
0x19d: {  	[sflag:s9] =	ssyncadd.s32 $0xFFFFFF80  }
0x19e: {  	[hbm4b:s6+s8] =	stream.linear.scatter [tilespmem:s12], [sflag:$0x1], $0x80, $0x38;
	[tilespmem:$0x2180] =	vst v63  }
0x19f: {  	_ =	swait.ge [sflag:s9], $0x80  }
0x1a0: {  	p0 =	sne.s32 s7, $0x1;
	[sflag:s9] =	ssyncset.done $0x0  }
.Ltmp1:
0x1a1: {  	[sflag:s9] =	ssyncadd.s32 $0xFFFFFF80;
	(pc) =	sbr.rel @p0 .LBB2_2-.Ltmp1, $4  }
0x1a2: {  	[hbm4b:s3+s8] =	stream.linear.scatter [tilespmem:s13], [sflag:$0x1], $0x80, $0x38;
	[tilespmem:$0x2180] =	vst v63  }
0x1a3: {  	_ =	swait.ge [sflag:s9], $0x80  }
0x1a4: {  	[sflag:s9] =	ssyncset.done $0x0  }
0x1a5: {  	s7 =	sadd.s32 $0xFFFFFFFF, s7;
	[sflag:s9] =	ssyncadd.s32 $0xFFFFFF80  }
.LBB2_3:
0x1a6: {  	_ =	sfence.sel $0x180000  }
0x1a7: {  	[bflag:$0x0] =	sbarrier.arrive $0xFFFF  }
0x1a8: {  	p0 =	sne.s32 s0, $0x0;
	_ =	strace $0x90000047  }
0x1a9: {  	s0 =	sadd.s32 @!p0 $0x100000, s2;
	[bflag:$0x2] =	sbarrier.arrive $0xFFFF  }
0x1aa: {  	[sflag:s0] =	ssyncadd.tile.s32 @!p0 $0x1;
	_ =	shalt  }
.Lfunc_end2:
_tile_overlayer_lowered:
.L_overlay_start_2:
0x1ab: {  	(tag) =	ssettag $0x2  }
0x1ac: {  	s0 =	rddreg [dreg:$0x0];
	s2 =	stileid.u32  }
0x1ad: {  	s1 =	rddreg [dreg:$0x1];
	p0 =	sne.s32 s2, $0x0  }
0x1ae: {  	s3 =	rddreg [dreg:$0x2];
	[bflag:$0x3] =	sbarrier.arrive $0xFFFF;
	s2 =	simm.s32 @!p0 $0x1C01  }
0x1af: {  	[timem:s3], [sflag:s2] =	dma.local @!p0 [hbm:s0], s1  }
0x1b0: {  	s0 =	simm.s32 @!p0 $0x1  }
0x1b1: {  	_ =	swait.ge @!p0 [sflag:s0], s1  }
0x1b2: {  	s1 =	ssub.s32 @!p0 $0x0, s1;
	[sflag:s0] =	ssyncset.done @!p0 $0x0  }
0x1b3: {  	[sflag:s0] =	ssyncadd.s32 @!p0 s1  }
0x1b4: {  	[bflag:$0x3] =	sbarrier.arrive $0xFFFF  }
0x1b5: {  	_ =	shalt  }

</sc_bundles>
